<compile_context>
chip_gen: v7x
topology: tpu7x:2x2x1
jax: 0.10.2.dev20260603
libtpu: 0.0.44.dev20260713+nightly
codegen_flags: <defaults>
</compile_context>

<pallas_src>
import functools

import jax
import jax.numpy as jnp
from jax import lax
from jax.experimental import pallas as pl
from jax.experimental.pallas import tpu as pltpu
from jax.experimental.pallas import tpu_sc as plsc

NUM_CODES = 512
CODE_DIM = 32
TILE = 4096
NCHUNK = 1


CHUNK = 8


def _argmin_block(z_ref, cb_ref, idx_ref):
    z = z_ref[0]
    cb = cb_ref[...]

    f2 = jnp.sum(z * z, axis=0)[None, :]
    c2 = jnp.sum(cb * cb, axis=1)
    dot = lax.dot_general(cb * -2.0, z, (((1,), (0,)), ((), ())))

    sub_iota = lax.broadcasted_iota(jnp.int32, (CHUNK, 1), 0)
    best = (f2 + dot[0:CHUNK, :]) + c2[0:CHUNK, None]
    best_k = jnp.broadcast_to(sub_iota, (CHUNK, TILE))
    for r in range(1, NUM_CODES // CHUNK):
        d = (f2 + dot[r * CHUNK:(r + 1) * CHUNK, :]) + c2[r * CHUNK:(r + 1) * CHUNK, None]
        better = d < best
        best_k = jnp.where(better, r * CHUNK + sub_iota, best_k)
        best = jnp.where(better, d, best)

    off = CHUNK // 2
    while off:
        bo = pltpu.roll(best, off, 0)
        ko = pltpu.roll(best_k, off, 0)
        take = (bo < best) | ((bo == best) & (ko < best_k))
        best = jnp.where(take, bo, best)
        best_k = jnp.where(take, ko, best_k)
        off //= 2
    idx_ref[0, 0, 0] = best_k[0]


def _tc_argmin(z3, codebook):
    B, C, HW = z3.shape
    n_t = HW // TILE
    idx4 = pl.pallas_call(
        _argmin_block,
        grid=(B, n_t),
        in_specs=[
            pl.BlockSpec((1, C, TILE), lambda b, t: (b, 0, t)),
            pl.BlockSpec((NUM_CODES, CODE_DIM), lambda b, t: (0, 0)),
        ],
        out_specs=pl.BlockSpec((1, 1, 1, TILE), lambda b, t: (b, t, 0, 0)),
        out_shape=jax.ShapeDtypeStruct((B, n_t, 1, TILE), jnp.int32),
        compiler_params=pltpu.CompilerParams(
            dimension_semantics=("parallel", "parallel"),
        ),
    )(z3, codebook)
    return idx4.reshape(B * HW)


def _make_sc_gather(Bc, C, HW):
    NW = 32
    RW = (Bc * C) // NW
    assert C % RW == 0
    mesh = plsc.VectorSubcoreMesh(core_axis_name="c", subcore_axis_name="s")

    @functools.partial(
        pl.kernel,
        mesh=mesh,
        out_type=jax.ShapeDtypeStruct((Bc * C * HW,), jnp.float32),
        scratch_types=[
            pltpu.VMEM((HW,), jnp.int32),
            pltpu.VMEM((RW * NUM_CODES,), jnp.float32),
            pltpu.VMEM((RW * HW,), jnp.float32),
        ],
        compiler_params=pltpu.CompilerParams(needs_layout_passes=False),
    )
    def sc_gather(cbt_hbm, idx_hbm, out_hbm, idx_v, cb_v, out_v):
        nc = 2
        wid = lax.axis_index("s") * nc + lax.axis_index("c")
        r0 = wid * RW
        b = r0 // C
        c0 = r0 % C
        pltpu.sync_copy(idx_hbm.at[pl.ds(b * HW, HW)], idx_v)
        pltpu.sync_copy(cbt_hbm.at[pl.ds(c0 * NUM_CODES, RW * NUM_CODES)], cb_v)

        def body(j, _):
            ivec = idx_v[pl.ds(j * 16, 16)]
            gs = [plsc.load_gather(cb_v, [ivec + c * NUM_CODES])
                  for c in range(RW)]
            for c in range(RW):
                out_v[pl.ds(c * HW + j * 16, 16)] = gs[c]
            return 0

        lax.fori_loop(0, HW // 16, body, 0, unroll=2)
        pltpu.sync_copy(out_v, out_hbm.at[pl.ds(r0 * HW, RW * HW)])

    return sc_gather


def kernel(z_e, codebook):
    B, C, H, W = z_e.shape
    HW = H * W
    z3 = z_e.reshape(B, C, HW)
    cbt_flat = codebook.T.reshape(-1)
    Bc = B // NCHUNK
    sc_gather = _make_sc_gather(Bc, C, HW)
    idxs, zqs = [], []
    for i in range(NCHUNK):
        zc = lax.slice_in_dim(z3, i * Bc, (i + 1) * Bc, axis=0)
        idx_c = _tc_argmin(zc, codebook)
        zqs.append(sc_gather(cbt_flat, idx_c))
        idxs.append(idx_c)
    zq = jnp.concatenate(zqs).reshape(B, C, H, W)
    return zq, jnp.concatenate(idxs)

# --- scband reference (transcript-rebuilt; emitter-appended) ---
"""Pipeline reference for scband-vector-quantizer-37512244363340 (READ-ONLY COPY).

The authoritative reference and input builder live on the scoring server;
editing this copy changes nothing except your own understanding.
"""

import jax, jax.numpy as jnp
import numpy as np

NUM_CODES = 512
CODE_DIM = 32

def setup_inputs(seed: int = 0):
    key = jax.random.key(seed)
    k1, k2 = jax.random.split(key)
    z_e = jax.random.normal(k1, (16, 32, 64, 64), dtype=jnp.float32)
    codebook = jax.random.uniform(k2, (NUM_CODES, CODE_DIM), dtype=jnp.float32,
                                  minval=-1.0 / NUM_CODES, maxval=1.0 / NUM_CODES)
    return {"z_e": z_e, "codebook": codebook}

def reference(z_e, codebook):
    B, C, H, W = z_e.shape
    flat = jnp.transpose(z_e, (0, 2, 3, 1)).reshape(-1, C)
    dists = (flat ** 2).sum(axis=1, keepdims=True) - 2.0 * (flat @ codebook.T) + (codebook ** 2).sum(axis=1)
    idx = jnp.argmin(dists, axis=1)
    z_q = jnp.take(codebook, idx, axis=0).reshape(B, H, W, -1)
    z_q = jnp.transpose(z_q, (0, 3, 1, 2))
    return (z_q, idx)

if __name__ == "__main__":
    import jax
    _d = setup_inputs()
    print(jax.jit(kernel)(*tuple(_d.values())))

</pallas_src>

<mosaic_0001>
#map = affine_map<(d0, d1) -> (0)>
module attributes {stable_mosaic.version = 14 : i64} {
  func.func @sc_gather(%arg0: i32, %arg1: i32, %arg2: memref<16384xf32, #tpu.memory_space<hbm>>, %arg3: memref<65536xi32, #tpu.memory_space<hbm>>, %arg4: memref<2097152xf32, #tpu.memory_space<hbm>>, %arg5: memref<4096xi32, #tpu.memory_space<vmem>>, %arg6: memref<8192xf32, #tpu.memory_space<vmem>>, %arg7: memref<65536xf32, #tpu.memory_space<vmem>>) attributes {dimension_semantics = [#tpu.dimension_semantics<core_parallel>, #tpu.dimension_semantics<subcore_parallel>], iteration_bounds = array<i64: 2, 16>, scalar_prefetch = 0 : i64, scratch_operands = 3 : i64, tpu.core_type = #tpu.core_type<sc_vector_subcore>, window_params = [{transform_indices = #map}, {transform_indices = #map}, {transform_indices = #map}]} {
    %mul3A = arith.constant 2 : i32
    %mul3A_0 = arith.muli %arg1, %mul3A : i32
    %add3A = arith.addi %mul3A_0, %arg0 : i32
    %mul3A_1 = arith.constant 16 : i32
    %mul3A_2 = arith.muli %add3A, %mul3A_1 : i32
    %jit3A = arith.constant 32 : i32
    %div3A = arith.divsi %mul3A_2, %jit3A : i32
    %sign3A = arith.constant 0 : i32
    %sign3A_3 = arith.cmpi sgt, %mul3A_2, %sign3A : i32
    %sign3A_4 = arith.extui %sign3A_3 : i1 to i32
    %sign3A_5 = arith.constant 0 : i32
    %sign3A_6 = arith.cmpi slt, %mul3A_2, %sign3A_5 : i32
    %sign3A_7 = arith.extui %sign3A_6 : i1 to i32
    %sign3A_8 = arith.subi %sign3A_4, %sign3A_7 : i32
    %sign3A_9 = arith.constant 0 : i32
    %sign3A_10 = arith.cmpi sgt, %jit3A, %sign3A_9 : i32
    %sign3A_11 = arith.extui %sign3A_10 : i1 to i32
    %sign3A_12 = arith.constant 0 : i32
    %sign3A_13 = arith.cmpi slt, %jit3A, %sign3A_12 : i32
    %sign3A_14 = arith.extui %sign3A_13 : i1 to i32
    %sign3A_15 = arith.subi %sign3A_11, %sign3A_14 : i32
    %ne3A = arith.cmpi ne, %sign3A_8, %sign3A_15 : i32
    %rem3A = arith.remsi %mul3A_2, %jit3A : i32
    %ne3A_16 = arith.constant 0 : i32
    %ne3A_17 = arith.cmpi ne, %rem3A, %ne3A_16 : i32
    %and3A = arith.andi %ne3A, %ne3A_17 : i1
    %sub3A = arith.constant 1 : i32
    %sub3A_18 = arith.subi %div3A, %sub3A : i32
    %select_n3A = arith.select %and3A, %sub3A_18, %div3A : i32
    %jit3A_19 = arith.constant 32 : i32
    %eq3A = arith.constant 0 : i32
    %eq3A_20 = arith.cmpi eq, %jit3A_19, %eq3A : i32
    %jit3A_21 = arith.constant 1 : i32
    %select_n3A_22 = arith.select %eq3A_20, %jit3A_21, %jit3A_19 : i32
    %rem3A_23 = arith.remsi %mul3A_2, %select_n3A_22 : i32
    %ne3A_24 = arith.constant 0 : i32
    %ne3A_25 = arith.cmpi ne, %rem3A_23, %ne3A_24 : i32
    %lt3A = arith.constant 0 : i32
    %lt3A_26 = arith.cmpi slt, %rem3A_23, %lt3A : i32
    %lt3A_27 = arith.constant 0 : i32
    %lt3A_28 = arith.cmpi slt, %select_n3A_22, %lt3A_27 : i32
    %ne3A_29 = arith.xori %lt3A_26, %lt3A_28 : i1
    %and3A_30 = arith.andi %ne3A_29, %ne3A_25 : i1
    %add3A_31 = arith.addi %rem3A_23, %select_n3A_22 : i32
    %select_n3A_32 = arith.select %and3A_30, %add3A_31, %rem3A_23 : i32
    %mul3A_33 = arith.constant 4096 : i32
    %mul3A_34 = arith.muli %select_n3A, %mul3A_33 : i32
    "tpu.region"() ({
      %run_scoped3A = tpu.sem_alloc : memref<!tpu.dma_semaphore, #tpu.memory_space<semaphore_mem>>
      %dma_start3A = tpu.memref_slice %arg3[%mul3A_34] : memref<65536xi32, #tpu.memory_space<hbm>> -> memref<4096xi32, #tpu.memory_space<hbm>>
      %dma_start3A_45 = tpu.memref_slice %arg3[%mul3A_34] : memref<65536xi32, #tpu.memory_space<hbm>> -> memref<4096xi32, #tpu.memory_space<hbm>>
      tpu.enqueue_dma source(%dma_start3A_45 : memref<4096xi32, #tpu.memory_space<hbm>>) target(%arg5 : memref<4096xi32, #tpu.memory_space<vmem>>) target_semaphore(%run_scoped3A : memref<!tpu.dma_semaphore, #tpu.memory_space<semaphore_mem>>)
      %dma_wait3A = tpu.memref_slice %arg3[%mul3A_34] : memref<65536xi32, #tpu.memory_space<hbm>> -> memref<4096xi32, #tpu.memory_space<hbm>>
      %dma_wait3A_46 = tpu.memref_slice %arg3[%mul3A_34] : memref<65536xi32, #tpu.memory_space<hbm>> -> memref<4096xi32, #tpu.memory_space<hbm>>
      tpu.wait_dma2 semaphore(%run_scoped3A : memref<!tpu.dma_semaphore, #tpu.memory_space<semaphore_mem>>) src(%dma_wait3A_46 : memref<4096xi32, #tpu.memory_space<hbm>>) dst(%arg5 : memref<4096xi32, #tpu.memory_space<vmem>>)
      tpu.yield
    }) : () -> ()
    %mul3A_35 = arith.constant 512 : i32
    %mul3A_36 = arith.muli %select_n3A_32, %mul3A_35 : i32
    "tpu.region"() ({
      %run_scoped3A = tpu.sem_alloc : memref<!tpu.dma_semaphore, #tpu.memory_space<semaphore_mem>>
      %dma_start3A = tpu.memref_slice %arg2[%mul3A_36] : memref<16384xf32, #tpu.memory_space<hbm>> -> memref<8192xf32, #tpu.memory_space<hbm>>
      %dma_start3A_45 = tpu.memref_slice %arg2[%mul3A_36] : memref<16384xf32, #tpu.memory_space<hbm>> -> memref<8192xf32, #tpu.memory_space<hbm>>
      tpu.enqueue_dma source(%dma_start3A_45 : memref<8192xf32, #tpu.memory_space<hbm>>) target(%arg6 : memref<8192xf32, #tpu.memory_space<vmem>>) target_semaphore(%run_scoped3A : memref<!tpu.dma_semaphore, #tpu.memory_space<semaphore_mem>>)
      %dma_wait3A = tpu.memref_slice %arg2[%mul3A_36] : memref<16384xf32, #tpu.memory_space<hbm>> -> memref<8192xf32, #tpu.memory_space<hbm>>
      %dma_wait3A_46 = tpu.memref_slice %arg2[%mul3A_36] : memref<16384xf32, #tpu.memory_space<hbm>> -> memref<8192xf32, #tpu.memory_space<hbm>>
      tpu.wait_dma2 semaphore(%run_scoped3A : memref<!tpu.dma_semaphore, #tpu.memory_space<semaphore_mem>>) src(%dma_wait3A_46 : memref<8192xf32, #tpu.memory_space<hbm>>) dst(%arg6 : memref<8192xf32, #tpu.memory_space<vmem>>)
      tpu.yield
    }) : () -> ()
    %scan3A = arith.constant 0 : i32
    %scan3A_37 = arith.constant 0 : i32
    %scan3A_38 = arith.constant 256 : i32
    %scan3A_39 = arith.addi %scan3A_37, %scan3A_38 : i32
    %scan3A_40 = arith.constant 2 : i32
    %scan3A_41 = scf.for %scan3A_45 = %scan3A_37 to %scan3A_39 step %scan3A_40 iter_args(%scan3A_46 = %scan3A) -> (i32)  : i32 {
      %mul3A_47 = arith.constant 16 : i32
      %mul3A_48 = arith.muli %scan3A_45, %mul3A_47 : i32
      %get3A = arith.index_cast %mul3A_48 : i32 to index
      %get3A_49 = tpu.vector_load %arg5[%get3A] {strides = array<i32>} : memref<4096xi32, #tpu.memory_space<vmem>>, vector<16xi32>,
      %add3A_50 = arith.constant 0 : i32
      %add3A_51 = vector.broadcast %add3A_50 : i32 to vector<16xi32>
      %add3A_52 = arith.addi %get3A_49, %add3A_51 : vector<16xi32>
      %gather3A = tpu.vector_load_idx %arg6[%add3A_52] : memref<8192xf32, #tpu.memory_space<vmem>>[vector<16xi32>], vector<16xf32>,
      %add3A_53 = arith.constant 512 : i32
      %add3A_54 = vector.broadcast %add3A_53 : i32 to vector<16xi32>
      %add3A_55 = arith.addi %get3A_49, %add3A_54 : vector<16xi32>
      %gather3A_56 = tpu.vector_load_idx %arg6[%add3A_55] : memref<8192xf32, #tpu.memory_space<vmem>>[vector<16xi32>], vector<16xf32>,
      %add3A_57 = arith.constant 1024 : i32
      %add3A_58 = vector.broadcast %add3A_57 : i32 to vector<16xi32>
      %add3A_59 = arith.addi %get3A_49, %add3A_58 : vector<16xi32>
      %gather3A_60 = tpu.vector_load_idx %arg6[%add3A_59] : memref<8192xf32, #tpu.memory_space<vmem>>[vector<16xi32>], vector<16xf32>,
      %add3A_61 = arith.constant 1536 : i32
      %add3A_62 = vector.broadcast %add3A_61 : i32 to vector<16xi32>
      %add3A_63 = arith.addi %get3A_49, %add3A_62 : vector<16xi32>
      %gather3A_64 = tpu.vector_load_idx %arg6[%add3A_63] : memref<8192xf32, #tpu.memory_space<vmem>>[vector<16xi32>], vector<16xf32>,
      %add3A_65 = arith.constant 2048 : i32
      %add3A_66 = vector.broadcast %add3A_65 : i32 to vector<16xi32>
      %add3A_67 = arith.addi %get3A_49, %add3A_66 : vector<16xi32>
      %gather3A_68 = tpu.vector_load_idx %arg6[%add3A_67] : memref<8192xf32, #tpu.memory_space<vmem>>[vector<16xi32>], vector<16xf32>,
      %add3A_69 = arith.constant 2560 : i32
      %add3A_70 = vector.broadcast %add3A_69 : i32 to vector<16xi32>
      %add3A_71 = arith.addi %get3A_49, %add3A_70 : vector<16xi32>
      %gather3A_72 = tpu.vector_load_idx %arg6[%add3A_71] : memref<8192xf32, #tpu.memory_space<vmem>>[vector<16xi32>], vector<16xf32>,
      %add3A_73 = arith.constant 3072 : i32
      %add3A_74 = vector.broadcast %add3A_73 : i32 to vector<16xi32>
      %add3A_75 = arith.addi %get3A_49, %add3A_74 : vector<16xi32>
      %gather3A_76 = tpu.vector_load_idx %arg6[%add3A_75] : memref<8192xf32, #tpu.memory_space<vmem>>[vector<16xi32>], vector<16xf32>,
      %add3A_77 = arith.constant 3584 : i32
      %add3A_78 = vector.broadcast %add3A_77 : i32 to vector<16xi32>
      %add3A_79 = arith.addi %get3A_49, %add3A_78 : vector<16xi32>
      %gather3A_80 = tpu.vector_load_idx %arg6[%add3A_79] : memref<8192xf32, #tpu.memory_space<vmem>>[vector<16xi32>], vector<16xf32>,
      %add3A_81 = arith.constant 4096 : i32
      %add3A_82 = vector.broadcast %add3A_81 : i32 to vector<16xi32>
      %add3A_83 = arith.addi %get3A_49, %add3A_82 : vector<16xi32>
      %gather3A_84 = tpu.vector_load_idx %arg6[%add3A_83] : memref<8192xf32, #tpu.memory_space<vmem>>[vector<16xi32>], vector<16xf32>,
      %add3A_85 = arith.constant 4608 : i32
      %add3A_86 = vector.broadcast %add3A_85 : i32 to vector<16xi32>
      %add3A_87 = arith.addi %get3A_49, %add3A_86 : vector<16xi32>
      %gather3A_88 = tpu.vector_load_idx %arg6[%add3A_87] : memref<8192xf32, #tpu.memory_space<vmem>>[vector<16xi32>], vector<16xf32>,
      %add3A_89 = arith.constant 5120 : i32
      %add3A_90 = vector.broadcast %add3A_89 : i32 to vector<16xi32>
      %add3A_91 = arith.addi %get3A_49, %add3A_90 : vector<16xi32>
      %gather3A_92 = tpu.vector_load_idx %arg6[%add3A_91] : memref<8192xf32, #tpu.memory_space<vmem>>[vector<16xi32>], vector<16xf32>,
      %add3A_93 = arith.constant 5632 : i32
      %add3A_94 = vector.broadcast %add3A_93 : i32 to vector<16xi32>
      %add3A_95 = arith.addi %get3A_49, %add3A_94 : vector<16xi32>
      %gather3A_96 = tpu.vector_load_idx %arg6[%add3A_95] : memref<8192xf32, #tpu.memory_space<vmem>>[vector<16xi32>], vector<16xf32>,
      %add3A_97 = arith.constant 6144 : i32
      %add3A_98 = vector.broadcast %add3A_97 : i32 to vector<16xi32>
      %add3A_99 = arith.addi %get3A_49, %add3A_98 : vector<16xi32>
      %gather3A_100 = tpu.vector_load_idx %arg6[%add3A_99] : memref<8192xf32, #tpu.memory_space<vmem>>[vector<16xi32>], vector<16xf32>,
      %add3A_101 = arith.constant 6656 : i32
      %add3A_102 = vector.broadcast %add3A_101 : i32 to vector<16xi32>
      %add3A_103 = arith.addi %get3A_49, %add3A_102 : vector<16xi32>
      %gather3A_104 = tpu.vector_load_idx %arg6[%add3A_103] : memref<8192xf32, #tpu.memory_space<vmem>>[vector<16xi32>], vector<16xf32>,
      %add3A_105 = arith.constant 7168 : i32
      %add3A_106 = vector.broadcast %add3A_105 : i32 to vector<16xi32>
      %add3A_107 = arith.addi %get3A_49, %add3A_106 : vector<16xi32>
      %gather3A_108 = tpu.vector_load_idx %arg6[%add3A_107] : memref<8192xf32, #tpu.memory_space<vmem>>[vector<16xi32>], vector<16xf32>,
      %add3A_109 = arith.constant 7680 : i32
      %add3A_110 = vector.broadcast %add3A_109 : i32 to vector<16xi32>
      %add3A_111 = arith.addi %get3A_49, %add3A_110 : vector<16xi32>
      %gather3A_112 = tpu.vector_load_idx %arg6[%add3A_111] : memref<8192xf32, #tpu.memory_space<vmem>>[vector<16xi32>], vector<16xf32>,
      %mul3A_113 = arith.constant 16 : i32
      %mul3A_114 = arith.muli %scan3A_45, %mul3A_113 : i32
      %add3A_115 = arith.constant 0 : i32
      %add3A_116 = arith.addi %add3A_115, %mul3A_114 : i32
      %swap3A = arith.index_cast %add3A_116 : i32 to index
      %swap3A_117 = tpu.vector_load %arg7[%swap3A] {strides = array<i32>} : memref<65536xf32, #tpu.memory_space<vmem>>, vector<16xf32>,
      tpu.vector_store %arg7[%swap3A], %gather3A {strides = array<i32>} : memref<65536xf32, #tpu.memory_space<vmem>>, vector<16xf32>,
      %mul3A_118 = arith.constant 16 : i32
      %mul3A_119 = arith.muli %scan3A_45, %mul3A_118 : i32
      %add3A_120 = arith.constant 4096 : i32
      %add3A_121 = arith.addi %add3A_120, %mul3A_119 : i32
      %swap3A_122 = arith.index_cast %add3A_121 : i32 to index
      %swap3A_123 = tpu.vector_load %arg7[%swap3A_122] {strides = array<i32>} : memref<65536xf32, #tpu.memory_space<vmem>>, vector<16xf32>,
      tpu.vector_store %arg7[%swap3A_122], %gather3A_56 {strides = array<i32>} : memref<65536xf32, #tpu.memory_space<vmem>>, vector<16xf32>,
      %mul3A_124 = arith.constant 16 : i32
      %mul3A_125 = arith.muli %scan3A_45, %mul3A_124 : i32
      %add3A_126 = arith.constant 8192 : i32
      %add3A_127 = arith.addi %add3A_126, %mul3A_125 : i32
      %swap3A_128 = arith.index_cast %add3A_127 : i32 to index
      %swap3A_129 = tpu.vector_load %arg7[%swap3A_128] {strides = array<i32>} : memref<65536xf32, #tpu.memory_space<vmem>>, vector<16xf32>,
      tpu.vector_store %arg7[%swap3A_128], %gather3A_60 {strides = array<i32>} : memref<65536xf32, #tpu.memory_space<vmem>>, vector<16xf32>,
      %mul3A_130 = arith.constant 16 : i32
      %mul3A_131 = arith.muli %scan3A_45, %mul3A_130 : i32
      %add3A_132 = arith.constant 12288 : i32
      %add3A_133 = arith.addi %add3A_132, %mul3A_131 : i32
      %swap3A_134 = arith.index_cast %add3A_133 : i32 to index
      %swap3A_135 = tpu.vector_load %arg7[%swap3A_134] {strides = array<i32>} : memref<65536xf32, #tpu.memory_space<vmem>>, vector<16xf32>,
      tpu.vector_store %arg7[%swap3A_134], %gather3A_64 {strides = array<i32>} : memref<65536xf32, #tpu.memory_space<vmem>>, vector<16xf32>,
      %mul3A_136 = arith.constant 16 : i32
      %mul3A_137 = arith.muli %scan3A_45, %mul3A_136 : i32
      %add3A_138 = arith.constant 16384 : i32
      %add3A_139 = arith.addi %add3A_138, %mul3A_137 : i32
      %swap3A_140 = arith.index_cast %add3A_139 : i32 to index
      %swap3A_141 = tpu.vector_load %arg7[%swap3A_140] {strides = array<i32>} : memref<65536xf32, #tpu.memory_space<vmem>>, vector<16xf32>,
      tpu.vector_store %arg7[%swap3A_140], %gather3A_68 {strides = array<i32>} : memref<65536xf32, #tpu.memory_space<vmem>>, vector<16xf32>,
      %mul3A_142 = arith.constant 16 : i32
      %mul3A_143 = arith.muli %scan3A_45, %mul3A_142 : i32
      %add3A_144 = arith.constant 20480 : i32
      %add3A_145 = arith.addi %add3A_144, %mul3A_143 : i32
      %swap3A_146 = arith.index_cast %add3A_145 : i32 to index
      %swap3A_147 = tpu.vector_load %arg7[%swap3A_146] {strides = array<i32>} : memref<65536xf32, #tpu.memory_space<vmem>>, vector<16xf32>,
      tpu.vector_store %arg7[%swap3A_146], %gather3A_72 {strides = array<i32>} : memref<65536xf32, #tpu.memory_space<vmem>>, vector<16xf32>,
      %mul3A_148 = arith.constant 16 : i32
      %mul3A_149 = arith.muli %scan3A_45, %mul3A_148 : i32
      %add3A_150 = arith.constant 24576 : i32
      %add3A_151 = arith.addi %add3A_150, %mul3A_149 : i32
      %swap3A_152 = arith.index_cast %add3A_151 : i32 to index
      %swap3A_153 = tpu.vector_load %arg7[%swap3A_152] {strides = array<i32>} : memref<65536xf32, #tpu.memory_space<vmem>>, vector<16xf32>,
      tpu.vector_store %arg7[%swap3A_152], %gather3A_76 {strides = array<i32>} : memref<65536xf32, #tpu.memory_space<vmem>>, vector<16xf32>,
      %mul3A_154 = arith.constant 16 : i32
      %mul3A_155 = arith.muli %scan3A_45, %mul3A_154 : i32
      %add3A_156 = arith.constant 28672 : i32
      %add3A_157 = arith.addi %add3A_156, %mul3A_155 : i32
      %swap3A_158 = arith.index_cast %add3A_157 : i32 to index
      %swap3A_159 = tpu.vector_load %arg7[%swap3A_158] {strides = array<i32>} : memref<65536xf32, #tpu.memory_space<vmem>>, vector<16xf32>,
      tpu.vector_store %arg7[%swap3A_158], %gather3A_80 {strides = array<i32>} : memref<65536xf32, #tpu.memory_space<vmem>>, vector<16xf32>,
      %mul3A_160 = arith.constant 16 : i32
      %mul3A_161 = arith.muli %scan3A_45, %mul3A_160 : i32
      %add3A_162 = arith.constant 32768 : i32
      %add3A_163 = arith.addi %add3A_162, %mul3A_161 : i32
      %swap3A_164 = arith.index_cast %add3A_163 : i32 to index
      %swap3A_165 = tpu.vector_load %arg7[%swap3A_164] {strides = array<i32>} : memref<65536xf32, #tpu.memory_space<vmem>>, vector<16xf32>,
      tpu.vector_store %arg7[%swap3A_164], %gather3A_84 {strides = array<i32>} : memref<65536xf32, #tpu.memory_space<vmem>>, vector<16xf32>,
      %mul3A_166 = arith.constant 16 : i32
      %mul3A_167 = arith.muli %scan3A_45, %mul3A_166 : i32
      %add3A_168 = arith.constant 36864 : i32
      %add3A_169 = arith.addi %add3A_168, %mul3A_167 : i32
      %swap3A_170 = arith.index_cast %add3A_169 : i32 to index
      %swap3A_171 = tpu.vector_load %arg7[%swap3A_170] {strides = array<i32>} : memref<65536xf32, #tpu.memory_space<vmem>>, vector<16xf32>,
      tpu.vector_store %arg7[%swap3A_170], %gather3A_88 {strides = array<i32>} : memref<65536xf32, #tpu.memory_space<vmem>>, vector<16xf32>,
      %mul3A_172 = arith.constant 16 : i32
      %mul3A_173 = arith.muli %scan3A_45, %mul3A_172 : i32
      %add3A_174 = arith.constant 40960 : i32
      %add3A_175 = arith.addi %add3A_174, %mul3A_173 : i32
      %swap3A_176 = arith.index_cast %add3A_175 : i32 to index
      %swap3A_177 = tpu.vector_load %arg7[%swap3A_176] {strides = array<i32>} : memref<65536xf32, #tpu.memory_space<vmem>>, vector<16xf32>,
      tpu.vector_store %arg7[%swap3A_176], %gather3A_92 {strides = array<i32>} : memref<65536xf32, #tpu.memory_space<vmem>>, vector<16xf32>,
      %mul3A_178 = arith.constant 16 : i32
      %mul3A_179 = arith.muli %scan3A_45, %mul3A_178 : i32
      %add3A_180 = arith.constant 45056 : i32
      %add3A_181 = arith.addi %add3A_180, %mul3A_179 : i32
      %swap3A_182 = arith.index_cast %add3A_181 : i32 to index
      %swap3A_183 = tpu.vector_load %arg7[%swap3A_182] {strides = array<i32>} : memref<65536xf32, #tpu.memory_space<vmem>>, vector<16xf32>,
      tpu.vector_store %arg7[%swap3A_182], %gather3A_96 {strides = array<i32>} : memref<65536xf32, #tpu.memory_space<vmem>>, vector<16xf32>,
      %mul3A_184 = arith.constant 16 : i32
      %mul3A_185 = arith.muli %scan3A_45, %mul3A_184 : i32
      %add3A_186 = arith.constant 49152 : i32
      %add3A_187 = arith.addi %add3A_186, %mul3A_185 : i32
      %swap3A_188 = arith.index_cast %add3A_187 : i32 to index
      %swap3A_189 = tpu.vector_load %arg7[%swap3A_188] {strides = array<i32>} : memref<65536xf32, #tpu.memory_space<vmem>>, vector<16xf32>,
      tpu.vector_store %arg7[%swap3A_188], %gather3A_100 {strides = array<i32>} : memref<65536xf32, #tpu.memory_space<vmem>>, vector<16xf32>,
      %mul3A_190 = arith.constant 16 : i32
      %mul3A_191 = arith.muli %scan3A_45, %mul3A_190 : i32
      %add3A_192 = arith.constant 53248 : i32
      %add3A_193 = arith.addi %add3A_192, %mul3A_191 : i32
      %swap3A_194 = arith.index_cast %add3A_193 : i32 to index
      %swap3A_195 = tpu.vector_load %arg7[%swap3A_194] {strides = array<i32>} : memref<65536xf32, #tpu.memory_space<vmem>>, vector<16xf32>,
      tpu.vector_store %arg7[%swap3A_194], %gather3A_104 {strides = array<i32>} : memref<65536xf32, #tpu.memory_space<vmem>>, vector<16xf32>,
      %mul3A_196 = arith.constant 16 : i32
      %mul3A_197 = arith.muli %scan3A_45, %mul3A_196 : i32
      %add3A_198 = arith.constant 57344 : i32
      %add3A_199 = arith.addi %add3A_198, %mul3A_197 : i32
      %swap3A_200 = arith.index_cast %add3A_199 : i32 to index
      %swap3A_201 = tpu.vector_load %arg7[%swap3A_200] {strides = array<i32>} : memref<65536xf32, #tpu.memory_space<vmem>>, vector<16xf32>,
      tpu.vector_store %arg7[%swap3A_200], %gather3A_108 {strides = array<i32>} : memref<65536xf32, #tpu.memory_space<vmem>>, vector<16xf32>,
      %mul3A_202 = arith.constant 16 : i32
      %mul3A_203 = arith.muli %scan3A_45, %mul3A_202 : i32
      %add3A_204 = arith.constant 61440 : i32
      %add3A_205 = arith.addi %add3A_204, %mul3A_203 : i32
      %swap3A_206 = arith.index_cast %add3A_205 : i32 to index
      %swap3A_207 = tpu.vector_load %arg7[%swap3A_206] {strides = array<i32>} : memref<65536xf32, #tpu.memory_space<vmem>>, vector<16xf32>,
      tpu.vector_store %arg7[%swap3A_206], %gather3A_112 {strides = array<i32>} : memref<65536xf32, #tpu.memory_space<vmem>>, vector<16xf32>,
      %scan3A_208 = arith.constant 0 : i32
      %scan3A_209 = arith.constant 1 : i32
      %scan3A_210 = arith.addi %scan3A_45, %scan3A_209 : i32
      %mul3A_211 = arith.constant 16 : i32
      %mul3A_212 = arith.muli %scan3A_210, %mul3A_211 : i32
      %get3A_213 = arith.index_cast %mul3A_212 : i32 to index
      %get3A_214 = tpu.vector_load %arg5[%get3A_213] {strides = array<i32>} : memref<4096xi32, #tpu.memory_space<vmem>>, vector<16xi32>,
      %add3A_215 = arith.constant 0 : i32
      %add3A_216 = vector.broadcast %add3A_215 : i32 to vector<16xi32>
      %add3A_217 = arith.addi %get3A_214, %add3A_216 : vector<16xi32>
      %gather3A_218 = tpu.vector_load_idx %arg6[%add3A_217] : memref<8192xf32, #tpu.memory_space<vmem>>[vector<16xi32>], vector<16xf32>,
      %add3A_219 = arith.constant 512 : i32
      %add3A_220 = vector.broadcast %add3A_219 : i32 to vector<16xi32>
      %add3A_221 = arith.addi %get3A_214, %add3A_220 : vector<16xi32>
      %gather3A_222 = tpu.vector_load_idx %arg6[%add3A_221] : memref<8192xf32, #tpu.memory_space<vmem>>[vector<16xi32>], vector<16xf32>,
      %add3A_223 = arith.constant 1024 : i32
      %add3A_224 = vector.broadcast %add3A_223 : i32 to vector<16xi32>
      %add3A_225 = arith.addi %get3A_214, %add3A_224 : vector<16xi32>
      %gather3A_226 = tpu.vector_load_idx %arg6[%add3A_225] : memref<8192xf32, #tpu.memory_space<vmem>>[vector<16xi32>], vector<16xf32>,
      %add3A_227 = arith.constant 1536 : i32
      %add3A_228 = vector.broadcast %add3A_227 : i32 to vector<16xi32>
      %add3A_229 = arith.addi %get3A_214, %add3A_228 : vector<16xi32>
      %gather3A_230 = tpu.vector_load_idx %arg6[%add3A_229] : memref<8192xf32, #tpu.memory_space<vmem>>[vector<16xi32>], vector<16xf32>,
      %add3A_231 = arith.constant 2048 : i32
      %add3A_232 = vector.broadcast %add3A_231 : i32 to vector<16xi32>
      %add3A_233 = arith.addi %get3A_214, %add3A_232 : vector<16xi32>
      %gather3A_234 = tpu.vector_load_idx %arg6[%add3A_233] : memref<8192xf32, #tpu.memory_space<vmem>>[vector<16xi32>], vector<16xf32>,
      %add3A_235 = arith.constant 2560 : i32
      %add3A_236 = vector.broadcast %add3A_235 : i32 to vector<16xi32>
      %add3A_237 = arith.addi %get3A_214, %add3A_236 : vector<16xi32>
      %gather3A_238 = tpu.vector_load_idx %arg6[%add3A_237] : memref<8192xf32, #tpu.memory_space<vmem>>[vector<16xi32>], vector<16xf32>,
      %add3A_239 = arith.constant 3072 : i32
      %add3A_240 = vector.broadcast %add3A_239 : i32 to vector<16xi32>
      %add3A_241 = arith.addi %get3A_214, %add3A_240 : vector<16xi32>
      %gather3A_242 = tpu.vector_load_idx %arg6[%add3A_241] : memref<8192xf32, #tpu.memory_space<vmem>>[vector<16xi32>], vector<16xf32>,
      %add3A_243 = arith.constant 3584 : i32
      %add3A_244 = vector.broadcast %add3A_243 : i32 to vector<16xi32>
      %add3A_245 = arith.addi %get3A_214, %add3A_244 : vector<16xi32>
      %gather3A_246 = tpu.vector_load_idx %arg6[%add3A_245] : memref<8192xf32, #tpu.memory_space<vmem>>[vector<16xi32>], vector<16xf32>,
      %add3A_247 = arith.constant 4096 : i32
      %add3A_248 = vector.broadcast %add3A_247 : i32 to vector<16xi32>
      %add3A_249 = arith.addi %get3A_214, %add3A_248 : vector<16xi32>
      %gather3A_250 = tpu.vector_load_idx %arg6[%add3A_249] : memref<8192xf32, #tpu.memory_space<vmem>>[vector<16xi32>], vector<16xf32>,
      %add3A_251 = arith.constant 4608 : i32
      %add3A_252 = vector.broadcast %add3A_251 : i32 to vector<16xi32>
      %add3A_253 = arith.addi %get3A_214, %add3A_252 : vector<16xi32>
      %gather3A_254 = tpu.vector_load_idx %arg6[%add3A_253] : memref<8192xf32, #tpu.memory_space<vmem>>[vector<16xi32>], vector<16xf32>,
      %add3A_255 = arith.constant 5120 : i32
      %add3A_256 = vector.broadcast %add3A_255 : i32 to vector<16xi32>
      %add3A_257 = arith.addi %get3A_214, %add3A_256 : vector<16xi32>
      %gather3A_258 = tpu.vector_load_idx %arg6[%add3A_257] : memref<8192xf32, #tpu.memory_space<vmem>>[vector<16xi32>], vector<16xf32>,
      %add3A_259 = arith.constant 5632 : i32
      %add3A_260 = vector.broadcast %add3A_259 : i32 to vector<16xi32>
      %add3A_261 = arith.addi %get3A_214, %add3A_260 : vector<16xi32>
      %gather3A_262 = tpu.vector_load_idx %arg6[%add3A_261] : memref<8192xf32, #tpu.memory_space<vmem>>[vector<16xi32>], vector<16xf32>,
      %add3A_263 = arith.constant 6144 : i32
      %add3A_264 = vector.broadcast %add3A_263 : i32 to vector<16xi32>
      %add3A_265 = arith.addi %get3A_214, %add3A_264 : vector<16xi32>
      %gather3A_266 = tpu.vector_load_idx %arg6[%add3A_265] : memref<8192xf32, #tpu.memory_space<vmem>>[vector<16xi32>], vector<16xf32>,
      %add3A_267 = arith.constant 6656 : i32
      %add3A_268 = vector.broadcast %add3A_267 : i32 to vector<16xi32>
      %add3A_269 = arith.addi %get3A_214, %add3A_268 : vector<16xi32>
      %gather3A_270 = tpu.vector_load_idx %arg6[%add3A_269] : memref<8192xf32, #tpu.memory_space<vmem>>[vector<16xi32>], vector<16xf32>,
      %add3A_271 = arith.constant 7168 : i32
      %add3A_272 = vector.broadcast %add3A_271 : i32 to vector<16xi32>
      %add3A_273 = arith.addi %get3A_214, %add3A_272 : vector<16xi32>
      %gather3A_274 = tpu.vector_load_idx %arg6[%add3A_273] : memref<8192xf32, #tpu.memory_space<vmem>>[vector<16xi32>], vector<16xf32>,
      %add3A_275 = arith.constant 7680 : i32
      %add3A_276 = vector.broadcast %add3A_275 : i32 to vector<16xi32>
      %add3A_277 = arith.addi %get3A_214, %add3A_276 : vector<16xi32>
      %gather3A_278 = tpu.vector_load_idx %arg6[%add3A_277] : memref<8192xf32, #tpu.memory_space<vmem>>[vector<16xi32>], vector<16xf32>,
      %mul3A_279 = arith.constant 16 : i32
      %mul3A_280 = arith.muli %scan3A_210, %mul3A_279 : i32
      %add3A_281 = arith.constant 0 : i32
      %add3A_282 = arith.addi %add3A_281, %mul3A_280 : i32
      %swap3A_283 = arith.index_cast %add3A_282 : i32 to index
      %swap3A_284 = tpu.vector_load %arg7[%swap3A_283] {strides = array<i32>} : memref<65536xf32, #tpu.memory_space<vmem>>, vector<16xf32>,
      tpu.vector_store %arg7[%swap3A_283], %gather3A_218 {strides = array<i32>} : memref<65536xf32, #tpu.memory_space<vmem>>, vector<16xf32>,
      %mul3A_285 = arith.constant 16 : i32
      %mul3A_286 = arith.muli %scan3A_210, %mul3A_285 : i32
      %add3A_287 = arith.constant 4096 : i32
      %add3A_288 = arith.addi %add3A_287, %mul3A_286 : i32
      %swap3A_289 = arith.index_cast %add3A_288 : i32 to index
      %swap3A_290 = tpu.vector_load %arg7[%swap3A_289] {strides = array<i32>} : memref<65536xf32, #tpu.memory_space<vmem>>, vector<16xf32>,
      tpu.vector_store %arg7[%swap3A_289], %gather3A_222 {strides = array<i32>} : memref<65536xf32, #tpu.memory_space<vmem>>, vector<16xf32>,
      %mul3A_291 = arith.constant 16 : i32
      %mul3A_292 = arith.muli %scan3A_210, %mul3A_291 : i32
      %add3A_293 = arith.constant 8192 : i32
      %add3A_294 = arith.addi %add3A_293, %mul3A_292 : i32
      %swap3A_295 = arith.index_cast %add3A_294 : i32 to index
      %swap3A_296 = tpu.vector_load %arg7[%swap3A_295] {strides = array<i32>} : memref<65536xf32, #tpu.memory_space<vmem>>, vector<16xf32>,
      tpu.vector_store %arg7[%swap3A_295], %gather3A_226 {strides = array<i32>} : memref<65536xf32, #tpu.memory_space<vmem>>, vector<16xf32>,
      %mul3A_297 = arith.constant 16 : i32
      %mul3A_298 = arith.muli %scan3A_210, %mul3A_297 : i32
      %add3A_299 = arith.constant 12288 : i32
      %add3A_300 = arith.addi %add3A_299, %mul3A_298 : i32
      %swap3A_301 = arith.index_cast %add3A_300 : i32 to index
      %swap3A_302 = tpu.vector_load %arg7[%swap3A_301] {strides = array<i32>} : memref<65536xf32, #tpu.memory_space<vmem>>, vector<16xf32>,
      tpu.vector_store %arg7[%swap3A_301], %gather3A_230 {strides = array<i32>} : memref<65536xf32, #tpu.memory_space<vmem>>, vector<16xf32>,
      %mul3A_303 = arith.constant 16 : i32
      %mul3A_304 = arith.muli %scan3A_210, %mul3A_303 : i32
      %add3A_305 = arith.constant 16384 : i32
      %add3A_306 = arith.addi %add3A_305, %mul3A_304 : i32
      %swap3A_307 = arith.index_cast %add3A_306 : i32 to index
      %swap3A_308 = tpu.vector_load %arg7[%swap3A_307] {strides = array<i32>} : memref<65536xf32, #tpu.memory_space<vmem>>, vector<16xf32>,
      tpu.vector_store %arg7[%swap3A_307], %gather3A_234 {strides = array<i32>} : memref<65536xf32, #tpu.memory_space<vmem>>, vector<16xf32>,
      %mul3A_309 = arith.constant 16 : i32
      %mul3A_310 = arith.muli %scan3A_210, %mul3A_309 : i32
      %add3A_311 = arith.constant 20480 : i32
      %add3A_312 = arith.addi %add3A_311, %mul3A_310 : i32
      %swap3A_313 = arith.index_cast %add3A_312 : i32 to index
      %swap3A_314 = tpu.vector_load %arg7[%swap3A_313] {strides = array<i32>} : memref<65536xf32, #tpu.memory_space<vmem>>, vector<16xf32>,
      tpu.vector_store %arg7[%swap3A_313], %gather3A_238 {strides = array<i32>} : memref<65536xf32, #tpu.memory_space<vmem>>, vector<16xf32>,
      %mul3A_315 = arith.constant 16 : i32
      %mul3A_316 = arith.muli %scan3A_210, %mul3A_315 : i32
      %add3A_317 = arith.constant 24576 : i32
      %add3A_318 = arith.addi %add3A_317, %mul3A_316 : i32
      %swap3A_319 = arith.index_cast %add3A_318 : i32 to index
      %swap3A_320 = tpu.vector_load %arg7[%swap3A_319] {strides = array<i32>} : memref<65536xf32, #tpu.memory_space<vmem>>, vector<16xf32>,
      tpu.vector_store %arg7[%swap3A_319], %gather3A_242 {strides = array<i32>} : memref<65536xf32, #tpu.memory_space<vmem>>, vector<16xf32>,
      %mul3A_321 = arith.constant 16 : i32
      %mul3A_322 = arith.muli %scan3A_210, %mul3A_321 : i32
      %add3A_323 = arith.constant 28672 : i32
      %add3A_324 = arith.addi %add3A_323, %mul3A_322 : i32
      %swap3A_325 = arith.index_cast %add3A_324 : i32 to index
      %swap3A_326 = tpu.vector_load %arg7[%swap3A_325] {strides = array<i32>} : memref<65536xf32, #tpu.memory_space<vmem>>, vector<16xf32>,
      tpu.vector_store %arg7[%swap3A_325], %gather3A_246 {strides = array<i32>} : memref<65536xf32, #tpu.memory_space<vmem>>, vector<16xf32>,
      %mul3A_327 = arith.constant 16 : i32
      %mul3A_328 = arith.muli %scan3A_210, %mul3A_327 : i32
      %add3A_329 = arith.constant 32768 : i32
      %add3A_330 = arith.addi %add3A_329, %mul3A_328 : i32
      %swap3A_331 = arith.index_cast %add3A_330 : i32 to index
      %swap3A_332 = tpu.vector_load %arg7[%swap3A_331] {strides = array<i32>} : memref<65536xf32, #tpu.memory_space<vmem>>, vector<16xf32>,
      tpu.vector_store %arg7[%swap3A_331], %gather3A_250 {strides = array<i32>} : memref<65536xf32, #tpu.memory_space<vmem>>, vector<16xf32>,
      %mul3A_333 = arith.constant 16 : i32
      %mul3A_334 = arith.muli %scan3A_210, %mul3A_333 : i32
      %add3A_335 = arith.constant 36864 : i32
      %add3A_336 = arith.addi %add3A_335, %mul3A_334 : i32
      %swap3A_337 = arith.index_cast %add3A_336 : i32 to index
      %swap3A_338 = tpu.vector_load %arg7[%swap3A_337] {strides = array<i32>} : memref<65536xf32, #tpu.memory_space<vmem>>, vector<16xf32>,
      tpu.vector_store %arg7[%swap3A_337], %gather3A_254 {strides = array<i32>} : memref<65536xf32, #tpu.memory_space<vmem>>, vector<16xf32>,
      %mul3A_339 = arith.constant 16 : i32
      %mul3A_340 = arith.muli %scan3A_210, %mul3A_339 : i32
      %add3A_341 = arith.constant 40960 : i32
      %add3A_342 = arith.addi %add3A_341, %mul3A_340 : i32
      %swap3A_343 = arith.index_cast %add3A_342 : i32 to index
      %swap3A_344 = tpu.vector_load %arg7[%swap3A_343] {strides = array<i32>} : memref<65536xf32, #tpu.memory_space<vmem>>, vector<16xf32>,
      tpu.vector_store %arg7[%swap3A_343], %gather3A_258 {strides = array<i32>} : memref<65536xf32, #tpu.memory_space<vmem>>, vector<16xf32>,
      %mul3A_345 = arith.constant 16 : i32
      %mul3A_346 = arith.muli %scan3A_210, %mul3A_345 : i32
      %add3A_347 = arith.constant 45056 : i32
      %add3A_348 = arith.addi %add3A_347, %mul3A_346 : i32
      %swap3A_349 = arith.index_cast %add3A_348 : i32 to index
      %swap3A_350 = tpu.vector_load %arg7[%swap3A_349] {strides = array<i32>} : memref<65536xf32, #tpu.memory_space<vmem>>, vector<16xf32>,
      tpu.vector_store %arg7[%swap3A_349], %gather3A_262 {strides = array<i32>} : memref<65536xf32, #tpu.memory_space<vmem>>, vector<16xf32>,
      %mul3A_351 = arith.constant 16 : i32
      %mul3A_352 = arith.muli %scan3A_210, %mul3A_351 : i32
      %add3A_353 = arith.constant 49152 : i32
      %add3A_354 = arith.addi %add3A_353, %mul3A_352 : i32
      %swap3A_355 = arith.index_cast %add3A_354 : i32 to index
      %swap3A_356 = tpu.vector_load %arg7[%swap3A_355] {strides = array<i32>} : memref<65536xf32, #tpu.memory_space<vmem>>, vector<16xf32>,
      tpu.vector_store %arg7[%swap3A_355], %gather3A_266 {strides = array<i32>} : memref<65536xf32, #tpu.memory_space<vmem>>, vector<16xf32>,
      %mul3A_357 = arith.constant 16 : i32
      %mul3A_358 = arith.muli %scan3A_210, %mul3A_357 : i32
      %add3A_359 = arith.constant 53248 : i32
      %add3A_360 = arith.addi %add3A_359, %mul3A_358 : i32
      %swap3A_361 = arith.index_cast %add3A_360 : i32 to index
      %swap3A_362 = tpu.vector_load %arg7[%swap3A_361] {strides = array<i32>} : memref<65536xf32, #tpu.memory_space<vmem>>, vector<16xf32>,
      tpu.vector_store %arg7[%swap3A_361], %gather3A_270 {strides = array<i32>} : memref<65536xf32, #tpu.memory_space<vmem>>, vector<16xf32>,
      %mul3A_363 = arith.constant 16 : i32
      %mul3A_364 = arith.muli %scan3A_210, %mul3A_363 : i32
      %add3A_365 = arith.constant 57344 : i32
      %add3A_366 = arith.addi %add3A_365, %mul3A_364 : i32
      %swap3A_367 = arith.index_cast %add3A_366 : i32 to index
      %swap3A_368 = tpu.vector_load %arg7[%swap3A_367] {strides = array<i32>} : memref<65536xf32, #tpu.memory_space<vmem>>, vector<16xf32>,
      tpu.vector_store %arg7[%swap3A_367], %gather3A_274 {strides = array<i32>} : memref<65536xf32, #tpu.memory_space<vmem>>, vector<16xf32>,
      %mul3A_369 = arith.constant 16 : i32
      %mul3A_370 = arith.muli %scan3A_210, %mul3A_369 : i32
      %add3A_371 = arith.constant 61440 : i32
      %add3A_372 = arith.addi %add3A_371, %mul3A_370 : i32
      %swap3A_373 = arith.index_cast %add3A_372 : i32 to index
      %swap3A_374 = tpu.vector_load %arg7[%swap3A_373] {strides = array<i32>} : memref<65536xf32, #tpu.memory_space<vmem>>, vector<16xf32>,
      tpu.vector_store %arg7[%swap3A_373], %gather3A_278 {strides = array<i32>} : memref<65536xf32, #tpu.memory_space<vmem>>, vector<16xf32>,
      %scan3A_375 = arith.constant 0 : i32
      scf.yield %scan3A_375 : i32
    }
    %scan3A_42 = arith.constant 256 : i32
    %mul3A_43 = arith.constant 4096 : i32
    %mul3A_44 = arith.muli %mul3A_2, %mul3A_43 : i32
    "tpu.region"() ({
      %run_scoped3A = tpu.sem_alloc : memref<!tpu.dma_semaphore, #tpu.memory_space<semaphore_mem>>
      %dma_start3A = tpu.memref_slice %arg4[%mul3A_44] : memref<2097152xf32, #tpu.memory_space<hbm>> -> memref<65536xf32, #tpu.memory_space<hbm>>
      %dma_start3A_45 = tpu.memref_slice %arg4[%mul3A_44] : memref<2097152xf32, #tpu.memory_space<hbm>> -> memref<65536xf32, #tpu.memory_space<hbm>>
      tpu.enqueue_dma source(%arg7 : memref<65536xf32, #tpu.memory_space<vmem>>) target(%dma_start3A_45 : memref<65536xf32, #tpu.memory_space<hbm>>) target_semaphore(%run_scoped3A : memref<!tpu.dma_semaphore, #tpu.memory_space<semaphore_mem>>)
      %dma_wait3A = tpu.memref_slice %arg4[%mul3A_44] : memref<2097152xf32, #tpu.memory_space<hbm>> -> memref<65536xf32, #tpu.memory_space<hbm>>
      %dma_wait3A_46 = tpu.memref_slice %arg4[%mul3A_44] : memref<2097152xf32, #tpu.memory_space<hbm>> -> memref<65536xf32, #tpu.memory_space<hbm>>
      tpu.wait_dma2 semaphore(%run_scoped3A : memref<!tpu.dma_semaphore, #tpu.memory_space<semaphore_mem>>) src(%arg7 : memref<65536xf32, #tpu.memory_space<vmem>>) dst(%dma_wait3A_46 : memref<65536xf32, #tpu.memory_space<hbm>>)
      tpu.yield
    }) : () -> ()
    return
  }
}

module attributes {stable_mosaic.version = 14 : i64} {
  func.func @_argmin_block(%arg0: i32, %arg1: i32, %arg2: memref<1x32x4096xf32, #tpu.memory_space<vmem>>, %arg3: memref<512x32xf32, #tpu.memory_space<vmem>>, %arg4: memref<1x1x1x4096xi32, #tpu.memory_space<vmem>>) attributes {dimension_semantics = [#tpu.dimension_semantics<parallel>, #tpu.dimension_semantics<parallel>], iteration_bounds = array<i64: 16, 1>, scalar_prefetch = 0 : i64, scratch_operands = 0 : i64, tpu.core_type = #tpu.core_type<tc>, window_params = [{transform_indices = @transform_0, window_bounds = array<i64: 1, 32, 4096>}, {pipeline_mode = #tpu.pipeline_mode<synchronous>, transform_indices = @transform_1, window_bounds = array<i64: 512, 32>}, {transform_indices = @transform_2, window_bounds = array<i64: 1, 1, 1, 4096>}]} {
    %get3A = arith.constant 0 : index
    %get3A_0 = arith.constant 0 : index
    %get3A_1 = arith.constant 0 : index
    %get3A_2 = vector.load %arg2[%get3A, %get3A_0, %get3A_1] : memref<1x32x4096xf32, #tpu.memory_space<vmem>>, vector<1x32x4096xf32>
    %get3A_3 = vector.shape_cast %get3A_2 : vector<1x32x4096xf32> to vector<32x4096xf32>
    %get3A_4 = arith.constant 0 : index
    %get3A_5 = arith.constant 0 : index
    %get3A_6 = vector.load %arg3[%get3A_4, %get3A_5] : memref<512x32xf32, #tpu.memory_space<vmem>>, vector<512x32xf32>
    %mul3A = arith.mulf %get3A_3, %get3A_3 : vector<32x4096xf32>
    %reduce_sum3A = arith.constant dense<0.000000e+00> : vector<4096xf32>
    %reduce_sum3A_7 = vector.multi_reduction <add>, %mul3A, %reduce_sum3A [0] : vector<32x4096xf32> to vector<4096xf32>
    %broadcast_in_dim3A = vector.shape_cast %reduce_sum3A_7 : vector<4096xf32> to vector<1x4096xf32>
    %mul3A_8 = arith.mulf %get3A_6, %get3A_6 : vector<512x32xf32>
    %reduce_sum3A_9 = arith.constant dense<0.000000e+00> : vector<512xf32>
    %reduce_sum3A_10 = vector.multi_reduction <add>, %mul3A_8, %reduce_sum3A_9 [1] : vector<512x32xf32> to vector<512xf32>
    %mul3A_11 = arith.constant -2.000000e+00 : f32
    %mul3A_12 = vector.broadcast %mul3A_11 : f32 to vector<512x32xf32>
    %mul3A_13 = arith.mulf %get3A_6, %mul3A_12 : vector<512x32xf32>
    %dot_general3A = arith.constant dense<0.000000e+00> : vector<512x4096xf32>
    %dot_general3A_14 = tpu.matmul %mul3A_13, %get3A_3, %dot_general3A {dimension_numbers = #tpu.dot_dimension_numbers<[1], [0], [0], [1], [0, 0, 1, 1], [], []>, transpose_lhs_hint = false} : vector<512x32xf32>, vector<32x4096xf32>, vector<512x4096xf32> -> vector<512x4096xf32>
    %iota3A = tpu.iota {dimensions = array<i32: 0>} : vector<8x1xi32>
    %slice3A = vector.extract_strided_slice %dot_general3A_14 {offsets = [0, 0], sizes = [8, 4096], strides = [1, 1]} : vector<512x4096xf32> to vector<8x4096xf32>
    %add3A = vector.broadcast %broadcast_in_dim3A : vector<1x4096xf32> to vector<8x4096xf32>
    %add3A_15 = arith.addf %add3A, %slice3A : vector<8x4096xf32>
    %slice3A_16 = vector.extract_strided_slice %reduce_sum3A_10 {offsets = [0], sizes = [8], strides = [1]} : vector<512xf32> to vector<8xf32>
    %broadcast_in_dim3A_17 = vector.shape_cast %slice3A_16 : vector<8xf32> to vector<8x1xf32>
    %add3A_18 = vector.broadcast %broadcast_in_dim3A_17 : vector<8x1xf32> to vector<8x4096xf32>
    %add3A_19 = arith.addf %add3A_15, %add3A_18 : vector<8x4096xf32>
    %broadcast_in_dim3A_20 = vector.shape_cast %iota3A : vector<8x1xi32> to vector<8x1xi32>
    %broadcast_in_dim3A_21 = vector.broadcast %broadcast_in_dim3A_20 : vector<8x1xi32> to vector<8x4096xi32>
    %slice3A_22 = vector.extract_strided_slice %dot_general3A_14 {offsets = [8, 0], sizes = [8, 4096], strides = [1, 1]} : vector<512x4096xf32> to vector<8x4096xf32>
    %add3A_23 = vector.broadcast %broadcast_in_dim3A : vector<1x4096xf32> to vector<8x4096xf32>
    %add3A_24 = arith.addf %add3A_23, %slice3A_22 : vector<8x4096xf32>
    %slice3A_25 = vector.extract_strided_slice %reduce_sum3A_10 {offsets = [8], sizes = [8], strides = [1]} : vector<512xf32> to vector<8xf32>
    %broadcast_in_dim3A_26 = vector.shape_cast %slice3A_25 : vector<8xf32> to vector<8x1xf32>
    %add3A_27 = vector.broadcast %broadcast_in_dim3A_26 : vector<8x1xf32> to vector<8x4096xf32>
    %add3A_28 = arith.addf %add3A_24, %add3A_27 : vector<8x4096xf32>
    %lt3A = arith.cmpf olt, %add3A_28, %add3A_19 : vector<8x4096xf32>
    %add3A_29 = arith.constant 8 : i32
    %add3A_30 = vector.broadcast %add3A_29 : i32 to vector<8x1xi32>
    %add3A_31 = arith.addi %add3A_30, %iota3A : vector<8x1xi32>
    %broadcast_in_dim3A_32 = vector.shape_cast %add3A_31 : vector<8x1xi32> to vector<8x1xi32>
    %broadcast_in_dim3A_33 = vector.broadcast %broadcast_in_dim3A_32 : vector<8x1xi32> to vector<8x4096xi32>
    %select_n3A = arith.select %lt3A, %broadcast_in_dim3A_33, %broadcast_in_dim3A_21 : vector<8x4096xi1>, vector<8x4096xi32>
    %select_n3A_34 = arith.select %lt3A, %add3A_28, %add3A_19 : vector<8x4096xi1>, vector<8x4096xf32>
    %slice3A_35 = vector.extract_strided_slice %dot_general3A_14 {offsets = [16, 0], sizes = [8, 4096], strides = [1, 1]} : vector<512x4096xf32> to vector<8x4096xf32>
    %add3A_36 = vector.broadcast %broadcast_in_dim3A : vector<1x4096xf32> to vector<8x4096xf32>
    %add3A_37 = arith.addf %add3A_36, %slice3A_35 : vector<8x4096xf32>
    %slice3A_38 = vector.extract_strided_slice %reduce_sum3A_10 {offsets = [16], sizes = [8], strides = [1]} : vector<512xf32> to vector<8xf32>
    %broadcast_in_dim3A_39 = vector.shape_cast %slice3A_38 : vector<8xf32> to vector<8x1xf32>
    %add3A_40 = vector.broadcast %broadcast_in_dim3A_39 : vector<8x1xf32> to vector<8x4096xf32>
    %add3A_41 = arith.addf %add3A_37, %add3A_40 : vector<8x4096xf32>
    %lt3A_42 = arith.cmpf olt, %add3A_41, %select_n3A_34 : vector<8x4096xf32>
    %add3A_43 = arith.constant 16 : i32
    %add3A_44 = vector.broadcast %add3A_43 : i32 to vector<8x1xi32>
    %add3A_45 = arith.addi %add3A_44, %iota3A : vector<8x1xi32>
    %broadcast_in_dim3A_46 = vector.shape_cast %add3A_45 : vector<8x1xi32> to vector<8x1xi32>
    %broadcast_in_dim3A_47 = vector.broadcast %broadcast_in_dim3A_46 : vector<8x1xi32> to vector<8x4096xi32>
    %select_n3A_48 = arith.select %lt3A_42, %broadcast_in_dim3A_47, %select_n3A : vector<8x4096xi1>, vector<8x4096xi32>
    %select_n3A_49 = arith.select %lt3A_42, %add3A_41, %select_n3A_34 : vector<8x4096xi1>, vector<8x4096xf32>
    %slice3A_50 = vector.extract_strided_slice %dot_general3A_14 {offsets = [24, 0], sizes = [8, 4096], strides = [1, 1]} : vector<512x4096xf32> to vector<8x4096xf32>
    %add3A_51 = vector.broadcast %broadcast_in_dim3A : vector<1x4096xf32> to vector<8x4096xf32>
    %add3A_52 = arith.addf %add3A_51, %slice3A_50 : vector<8x4096xf32>
    %slice3A_53 = vector.extract_strided_slice %reduce_sum3A_10 {offsets = [24], sizes = [8], strides = [1]} : vector<512xf32> to vector<8xf32>
    %broadcast_in_dim3A_54 = vector.shape_cast %slice3A_53 : vector<8xf32> to vector<8x1xf32>
    %add3A_55 = vector.broadcast %broadcast_in_dim3A_54 : vector<8x1xf32> to vector<8x4096xf32>
    %add3A_56 = arith.addf %add3A_52, %add3A_55 : vector<8x4096xf32>
    %lt3A_57 = arith.cmpf olt, %add3A_56, %select_n3A_49 : vector<8x4096xf32>
    %add3A_58 = arith.constant 24 : i32
    %add3A_59 = vector.broadcast %add3A_58 : i32 to vector<8x1xi32>
    %add3A_60 = arith.addi %add3A_59, %iota3A : vector<8x1xi32>
    %broadcast_in_dim3A_61 = vector.shape_cast %add3A_60 : vector<8x1xi32> to vector<8x1xi32>
    %broadcast_in_dim3A_62 = vector.broadcast %broadcast_in_dim3A_61 : vector<8x1xi32> to vector<8x4096xi32>
    %select_n3A_63 = arith.select %lt3A_57, %broadcast_in_dim3A_62, %select_n3A_48 : vector<8x4096xi1>, vector<8x4096xi32>
    %select_n3A_64 = arith.select %lt3A_57, %add3A_56, %select_n3A_49 : vector<8x4096xi1>, vector<8x4096xf32>
    %slice3A_65 = vector.extract_strided_slice %dot_general3A_14 {offsets = [32, 0], sizes = [8, 4096], strides = [1, 1]} : vector<512x4096xf32> to vector<8x4096xf32>
    %add3A_66 = vector.broadcast %broadcast_in_dim3A : vector<1x4096xf32> to vector<8x4096xf32>
    %add3A_67 = arith.addf %add3A_66, %slice3A_65 : vector<8x4096xf32>
    %slice3A_68 = vector.extract_strided_slice %reduce_sum3A_10 {offsets = [32], sizes = [8], strides = [1]} : vector<512xf32> to vector<8xf32>
    %broadcast_in_dim3A_69 = vector.shape_cast %slice3A_68 : vector<8xf32> to vector<8x1xf32>
    %add3A_70 = vector.broadcast %broadcast_in_dim3A_69 : vector<8x1xf32> to vector<8x4096xf32>
    %add3A_71 = arith.addf %add3A_67, %add3A_70 : vector<8x4096xf32>
    %lt3A_72 = arith.cmpf olt, %add3A_71, %select_n3A_64 : vector<8x4096xf32>
    %add3A_73 = arith.constant 32 : i32
    %add3A_74 = vector.broadcast %add3A_73 : i32 to vector<8x1xi32>
    %add3A_75 = arith.addi %add3A_74, %iota3A : vector<8x1xi32>
    %broadcast_in_dim3A_76 = vector.shape_cast %add3A_75 : vector<8x1xi32> to vector<8x1xi32>
    %broadcast_in_dim3A_77 = vector.broadcast %broadcast_in_dim3A_76 : vector<8x1xi32> to vector<8x4096xi32>
    %select_n3A_78 = arith.select %lt3A_72, %broadcast_in_dim3A_77, %select_n3A_63 : vector<8x4096xi1>, vector<8x4096xi32>
    %select_n3A_79 = arith.select %lt3A_72, %add3A_71, %select_n3A_64 : vector<8x4096xi1>, vector<8x4096xf32>
    %slice3A_80 = vector.extract_strided_slice %dot_general3A_14 {offsets = [40, 0], sizes = [8, 4096], strides = [1, 1]} : vector<512x4096xf32> to vector<8x4096xf32>
    %add3A_81 = vector.broadcast %broadcast_in_dim3A : vector<1x4096xf32> to vector<8x4096xf32>
    %add3A_82 = arith.addf %add3A_81, %slice3A_80 : vector<8x4096xf32>
    %slice3A_83 = vector.extract_strided_slice %reduce_sum3A_10 {offsets = [40], sizes = [8], strides = [1]} : vector<512xf32> to vector<8xf32>
    %broadcast_in_dim3A_84 = vector.shape_cast %slice3A_83 : vector<8xf32> to vector<8x1xf32>
    %add3A_85 = vector.broadcast %broadcast_in_dim3A_84 : vector<8x1xf32> to vector<8x4096xf32>
    %add3A_86 = arith.addf %add3A_82, %add3A_85 : vector<8x4096xf32>
    %lt3A_87 = arith.cmpf olt, %add3A_86, %select_n3A_79 : vector<8x4096xf32>
    %add3A_88 = arith.constant 40 : i32
    %add3A_89 = vector.broadcast %add3A_88 : i32 to vector<8x1xi32>
    %add3A_90 = arith.addi %add3A_89, %iota3A : vector<8x1xi32>
    %broadcast_in_dim3A_91 = vector.shape_cast %add3A_90 : vector<8x1xi32> to vector<8x1xi32>
    %broadcast_in_dim3A_92 = vector.broadcast %broadcast_in_dim3A_91 : vector<8x1xi32> to vector<8x4096xi32>
    %select_n3A_93 = arith.select %lt3A_87, %broadcast_in_dim3A_92, %select_n3A_78 : vector<8x4096xi1>, vector<8x4096xi32>
    %select_n3A_94 = arith.select %lt3A_87, %add3A_86, %select_n3A_79 : vector<8x4096xi1>, vector<8x4096xf32>
    %slice3A_95 = vector.extract_strided_slice %dot_general3A_14 {offsets = [48, 0], sizes = [8, 4096], strides = [1, 1]} : vector<512x4096xf32> to vector<8x4096xf32>
    %add3A_96 = vector.broadcast %broadcast_in_dim3A : vector<1x4096xf32> to vector<8x4096xf32>
    %add3A_97 = arith.addf %add3A_96, %slice3A_95 : vector<8x4096xf32>
    %slice3A_98 = vector.extract_strided_slice %reduce_sum3A_10 {offsets = [48], sizes = [8], strides = [1]} : vector<512xf32> to vector<8xf32>
    %broadcast_in_dim3A_99 = vector.shape_cast %slice3A_98 : vector<8xf32> to vector<8x1xf32>
    %add3A_100 = vector.broadcast %broadcast_in_dim3A_99 : vector<8x1xf32> to vector<8x4096xf32>
    %add3A_101 = arith.addf %add3A_97, %add3A_100 : vector<8x4096xf32>
    %lt3A_102 = arith.cmpf olt, %add3A_101, %select_n3A_94 : vector<8x4096xf32>
    %add3A_103 = arith.constant 48 : i32
    %add3A_104 = vector.broadcast %add3A_103 : i32 to vector<8x1xi32>
    %add3A_105 = arith.addi %add3A_104, %iota3A : vector<8x1xi32>
    %broadcast_in_dim3A_106 = vector.shape_cast %add3A_105 : vector<8x1xi32> to vector<8x1xi32>
    %broadcast_in_dim3A_107 = vector.broadcast %broadcast_in_dim3A_106 : vector<8x1xi32> to vector<8x4096xi32>
    %select_n3A_108 = arith.select %lt3A_102, %broadcast_in_dim3A_107, %select_n3A_93 : vector<8x4096xi1>, vector<8x4096xi32>
    %select_n3A_109 = arith.select %lt3A_102, %add3A_101, %select_n3A_94 : vector<8x4096xi1>, vector<8x4096xf32>
    %slice3A_110 = vector.extract_strided_slice %dot_general3A_14 {offsets = [56, 0], sizes = [8, 4096], strides = [1, 1]} : vector<512x4096xf32> to vector<8x4096xf32>
    %add3A_111 = vector.broadcast %broadcast_in_dim3A : vector<1x4096xf32> to vector<8x4096xf32>
    %add3A_112 = arith.addf %add3A_111, %slice3A_110 : vector<8x4096xf32>
    %slice3A_113 = vector.extract_strided_slice %reduce_sum3A_10 {offsets = [56], sizes = [8], strides = [1]} : vector<512xf32> to vector<8xf32>
    %broadcast_in_dim3A_114 = vector.shape_cast %slice3A_113 : vector<8xf32> to vector<8x1xf32>
    %add3A_115 = vector.broadcast %broadcast_in_dim3A_114 : vector<8x1xf32> to vector<8x4096xf32>
    %add3A_116 = arith.addf %add3A_112, %add3A_115 : vector<8x4096xf32>
    %lt3A_117 = arith.cmpf olt, %add3A_116, %select_n3A_109 : vector<8x4096xf32>
    %add3A_118 = arith.constant 56 : i32
    %add3A_119 = vector.broadcast %add3A_118 : i32 to vector<8x1xi32>
    %add3A_120 = arith.addi %add3A_119, %iota3A : vector<8x1xi32>
    %broadcast_in_dim3A_121 = vector.shape_cast %add3A_120 : vector<8x1xi32> to vector<8x1xi32>
    %broadcast_in_dim3A_122 = vector.broadcast %broadcast_in_dim3A_121 : vector<8x1xi32> to vector<8x4096xi32>
    %select_n3A_123 = arith.select %lt3A_117, %broadcast_in_dim3A_122, %select_n3A_108 : vector<8x4096xi1>, vector<8x4096xi32>
    %select_n3A_124 = arith.select %lt3A_117, %add3A_116, %select_n3A_109 : vector<8x4096xi1>, vector<8x4096xf32>
    %slice3A_125 = vector.extract_strided_slice %dot_general3A_14 {offsets = [64, 0], sizes = [8, 4096], strides = [1, 1]} : vector<512x4096xf32> to vector<8x4096xf32>
    %add3A_126 = vector.broadcast %broadcast_in_dim3A : vector<1x4096xf32> to vector<8x4096xf32>
    %add3A_127 = arith.addf %add3A_126, %slice3A_125 : vector<8x4096xf32>
    %slice3A_128 = vector.extract_strided_slice %reduce_sum3A_10 {offsets = [64], sizes = [8], strides = [1]} : vector<512xf32> to vector<8xf32>
    %broadcast_in_dim3A_129 = vector.shape_cast %slice3A_128 : vector<8xf32> to vector<8x1xf32>
    %add3A_130 = vector.broadcast %broadcast_in_dim3A_129 : vector<8x1xf32> to vector<8x4096xf32>
    %add3A_131 = arith.addf %add3A_127, %add3A_130 : vector<8x4096xf32>
    %lt3A_132 = arith.cmpf olt, %add3A_131, %select_n3A_124 : vector<8x4096xf32>
    %add3A_133 = arith.constant 64 : i32
    %add3A_134 = vector.broadcast %add3A_133 : i32 to vector<8x1xi32>
    %add3A_135 = arith.addi %add3A_134, %iota3A : vector<8x1xi32>
    %broadcast_in_dim3A_136 = vector.shape_cast %add3A_135 : vector<8x1xi32> to vector<8x1xi32>
    %broadcast_in_dim3A_137 = vector.broadcast %broadcast_in_dim3A_136 : vector<8x1xi32> to vector<8x4096xi32>
    %select_n3A_138 = arith.select %lt3A_132, %broadcast_in_dim3A_137, %select_n3A_123 : vector<8x4096xi1>, vector<8x4096xi32>
    %select_n3A_139 = arith.select %lt3A_132, %add3A_131, %select_n3A_124 : vector<8x4096xi1>, vector<8x4096xf32>
    %slice3A_140 = vector.extract_strided_slice %dot_general3A_14 {offsets = [72, 0], sizes = [8, 4096], strides = [1, 1]} : vector<512x4096xf32> to vector<8x4096xf32>
    %add3A_141 = vector.broadcast %broadcast_in_dim3A : vector<1x4096xf32> to vector<8x4096xf32>
    %add3A_142 = arith.addf %add3A_141, %slice3A_140 : vector<8x4096xf32>
    %slice3A_143 = vector.extract_strided_slice %reduce_sum3A_10 {offsets = [72], sizes = [8], strides = [1]} : vector<512xf32> to vector<8xf32>
    %broadcast_in_dim3A_144 = vector.shape_cast %slice3A_143 : vector<8xf32> to vector<8x1xf32>
    %add3A_145 = vector.broadcast %broadcast_in_dim3A_144 : vector<8x1xf32> to vector<8x4096xf32>
    %add3A_146 = arith.addf %add3A_142, %add3A_145 : vector<8x4096xf32>
    %lt3A_147 = arith.cmpf olt, %add3A_146, %select_n3A_139 : vector<8x4096xf32>
    %add3A_148 = arith.constant 72 : i32
    %add3A_149 = vector.broadcast %add3A_148 : i32 to vector<8x1xi32>
    %add3A_150 = arith.addi %add3A_149, %iota3A : vector<8x1xi32>
    %broadcast_in_dim3A_151 = vector.shape_cast %add3A_150 : vector<8x1xi32> to vector<8x1xi32>
    %broadcast_in_dim3A_152 = vector.broadcast %broadcast_in_dim3A_151 : vector<8x1xi32> to vector<8x4096xi32>
    %select_n3A_153 = arith.select %lt3A_147, %broadcast_in_dim3A_152, %select_n3A_138 : vector<8x4096xi1>, vector<8x4096xi32>
    %select_n3A_154 = arith.select %lt3A_147, %add3A_146, %select_n3A_139 : vector<8x4096xi1>, vector<8x4096xf32>
    %slice3A_155 = vector.extract_strided_slice %dot_general3A_14 {offsets = [80, 0], sizes = [8, 4096], strides = [1, 1]} : vector<512x4096xf32> to vector<8x4096xf32>
    %add3A_156 = vector.broadcast %broadcast_in_dim3A : vector<1x4096xf32> to vector<8x4096xf32>
    %add3A_157 = arith.addf %add3A_156, %slice3A_155 : vector<8x4096xf32>
    %slice3A_158 = vector.extract_strided_slice %reduce_sum3A_10 {offsets = [80], sizes = [8], strides = [1]} : vector<512xf32> to vector<8xf32>
    %broadcast_in_dim3A_159 = vector.shape_cast %slice3A_158 : vector<8xf32> to vector<8x1xf32>
    %add3A_160 = vector.broadcast %broadcast_in_dim3A_159 : vector<8x1xf32> to vector<8x4096xf32>
    %add3A_161 = arith.addf %add3A_157, %add3A_160 : vector<8x4096xf32>
    %lt3A_162 = arith.cmpf olt, %add3A_161, %select_n3A_154 : vector<8x4096xf32>
    %add3A_163 = arith.constant 80 : i32
    %add3A_164 = vector.broadcast %add3A_163 : i32 to vector<8x1xi32>
    %add3A_165 = arith.addi %add3A_164, %iota3A : vector<8x1xi32>
    %broadcast_in_dim3A_166 = vector.shape_cast %add3A_165 : vector<8x1xi32> to vector<8x1xi32>
    %broadcast_in_dim3A_167 = vector.broadcast %broadcast_in_dim3A_166 : vector<8x1xi32> to vector<8x4096xi32>
    %select_n3A_168 = arith.select %lt3A_162, %broadcast_in_dim3A_167, %select_n3A_153 : vector<8x4096xi1>, vector<8x4096xi32>
    %select_n3A_169 = arith.select %lt3A_162, %add3A_161, %select_n3A_154 : vector<8x4096xi1>, vector<8x4096xf32>
    %slice3A_170 = vector.extract_strided_slice %dot_general3A_14 {offsets = [88, 0], sizes = [8, 4096], strides = [1, 1]} : vector<512x4096xf32> to vector<8x4096xf32>
    %add3A_171 = vector.broadcast %broadcast_in_dim3A : vector<1x4096xf32> to vector<8x4096xf32>
    %add3A_172 = arith.addf %add3A_171, %slice3A_170 : vector<8x4096xf32>
    %slice3A_173 = vector.extract_strided_slice %reduce_sum3A_10 {offsets = [88], sizes = [8], strides = [1]} : vector<512xf32> to vector<8xf32>
    %broadcast_in_dim3A_174 = vector.shape_cast %slice3A_173 : vector<8xf32> to vector<8x1xf32>
    %add3A_175 = vector.broadcast %broadcast_in_dim3A_174 : vector<8x1xf32> to vector<8x4096xf32>
    %add3A_176 = arith.addf %add3A_172, %add3A_175 : vector<8x4096xf32>
    %lt3A_177 = arith.cmpf olt, %add3A_176, %select_n3A_169 : vector<8x4096xf32>
    %add3A_178 = arith.constant 88 : i32
    %add3A_179 = vector.broadcast %add3A_178 : i32 to vector<8x1xi32>
    %add3A_180 = arith.addi %add3A_179, %iota3A : vector<8x1xi32>
    %broadcast_in_dim3A_181 = vector.shape_cast %add3A_180 : vector<8x1xi32> to vector<8x1xi32>
    %broadcast_in_dim3A_182 = vector.broadcast %broadcast_in_dim3A_181 : vector<8x1xi32> to vector<8x4096xi32>
    %select_n3A_183 = arith.select %lt3A_177, %broadcast_in_dim3A_182, %select_n3A_168 : vector<8x4096xi1>, vector<8x4096xi32>
    %select_n3A_184 = arith.select %lt3A_177, %add3A_176, %select_n3A_169 : vector<8x4096xi1>, vector<8x4096xf32>
    %slice3A_185 = vector.extract_strided_slice %dot_general3A_14 {offsets = [96, 0], sizes = [8, 4096], strides = [1, 1]} : vector<512x4096xf32> to vector<8x4096xf32>
    %add3A_186 = vector.broadcast %broadcast_in_dim3A : vector<1x4096xf32> to vector<8x4096xf32>
    %add3A_187 = arith.addf %add3A_186, %slice3A_185 : vector<8x4096xf32>
    %slice3A_188 = vector.extract_strided_slice %reduce_sum3A_10 {offsets = [96], sizes = [8], strides = [1]} : vector<512xf32> to vector<8xf32>
    %broadcast_in_dim3A_189 = vector.shape_cast %slice3A_188 : vector<8xf32> to vector<8x1xf32>
    %add3A_190 = vector.broadcast %broadcast_in_dim3A_189 : vector<8x1xf32> to vector<8x4096xf32>
    %add3A_191 = arith.addf %add3A_187, %add3A_190 : vector<8x4096xf32>
    %lt3A_192 = arith.cmpf olt, %add3A_191, %select_n3A_184 : vector<8x4096xf32>
    %add3A_193 = arith.constant 96 : i32
    %add3A_194 = vector.broadcast %add3A_193 : i32 to vector<8x1xi32>
    %add3A_195 = arith.addi %add3A_194, %iota3A : vector<8x1xi32>
    %broadcast_in_dim3A_196 = vector.shape_cast %add3A_195 : vector<8x1xi32> to vector<8x1xi32>
    %broadcast_in_dim3A_197 = vector.broadcast %broadcast_in_dim3A_196 : vector<8x1xi32> to vector<8x4096xi32>
    %select_n3A_198 = arith.select %lt3A_192, %broadcast_in_dim3A_197, %select_n3A_183 : vector<8x4096xi1>, vector<8x4096xi32>
    %select_n3A_199 = arith.select %lt3A_192, %add3A_191, %select_n3A_184 : vector<8x4096xi1>, vector<8x4096xf32>
    %slice3A_200 = vector.extract_strided_slice %dot_general3A_14 {offsets = [104, 0], sizes = [8, 4096], strides = [1, 1]} : vector<512x4096xf32> to vector<8x4096xf32>
    %add3A_201 = vector.broadcast %broadcast_in_dim3A : vector<1x4096xf32> to vector<8x4096xf32>
    %add3A_202 = arith.addf %add3A_201, %slice3A_200 : vector<8x4096xf32>
    %slice3A_203 = vector.extract_strided_slice %reduce_sum3A_10 {offsets = [104], sizes = [8], strides = [1]} : vector<512xf32> to vector<8xf32>
    %broadcast_in_dim3A_204 = vector.shape_cast %slice3A_203 : vector<8xf32> to vector<8x1xf32>
    %add3A_205 = vector.broadcast %broadcast_in_dim3A_204 : vector<8x1xf32> to vector<8x4096xf32>
    %add3A_206 = arith.addf %add3A_202, %add3A_205 : vector<8x4096xf32>
    %lt3A_207 = arith.cmpf olt, %add3A_206, %select_n3A_199 : vector<8x4096xf32>
    %add3A_208 = arith.constant 104 : i32
    %add3A_209 = vector.broadcast %add3A_208 : i32 to vector<8x1xi32>
    %add3A_210 = arith.addi %add3A_209, %iota3A : vector<8x1xi32>
    %broadcast_in_dim3A_211 = vector.shape_cast %add3A_210 : vector<8x1xi32> to vector<8x1xi32>
    %broadcast_in_dim3A_212 = vector.broadcast %broadcast_in_dim3A_211 : vector<8x1xi32> to vector<8x4096xi32>
    %select_n3A_213 = arith.select %lt3A_207, %broadcast_in_dim3A_212, %select_n3A_198 : vector<8x4096xi1>, vector<8x4096xi32>
    %select_n3A_214 = arith.select %lt3A_207, %add3A_206, %select_n3A_199 : vector<8x4096xi1>, vector<8x4096xf32>
    %slice3A_215 = vector.extract_strided_slice %dot_general3A_14 {offsets = [112, 0], sizes = [8, 4096], strides = [1, 1]} : vector<512x4096xf32> to vector<8x4096xf32>
    %add3A_216 = vector.broadcast %broadcast_in_dim3A : vector<1x4096xf32> to vector<8x4096xf32>
    %add3A_217 = arith.addf %add3A_216, %slice3A_215 : vector<8x4096xf32>
    %slice3A_218 = vector.extract_strided_slice %reduce_sum3A_10 {offsets = [112], sizes = [8], strides = [1]} : vector<512xf32> to vector<8xf32>
    %broadcast_in_dim3A_219 = vector.shape_cast %slice3A_218 : vector<8xf32> to vector<8x1xf32>
    %add3A_220 = vector.broadcast %broadcast_in_dim3A_219 : vector<8x1xf32> to vector<8x4096xf32>
    %add3A_221 = arith.addf %add3A_217, %add3A_220 : vector<8x4096xf32>
    %lt3A_222 = arith.cmpf olt, %add3A_221, %select_n3A_214 : vector<8x4096xf32>
    %add3A_223 = arith.constant 112 : i32
    %add3A_224 = vector.broadcast %add3A_223 : i32 to vector<8x1xi32>
    %add3A_225 = arith.addi %add3A_224, %iota3A : vector<8x1xi32>
    %broadcast_in_dim3A_226 = vector.shape_cast %add3A_225 : vector<8x1xi32> to vector<8x1xi32>
    %broadcast_in_dim3A_227 = vector.broadcast %broadcast_in_dim3A_226 : vector<8x1xi32> to vector<8x4096xi32>
    %select_n3A_228 = arith.select %lt3A_222, %broadcast_in_dim3A_227, %select_n3A_213 : vector<8x4096xi1>, vector<8x4096xi32>
    %select_n3A_229 = arith.select %lt3A_222, %add3A_221, %select_n3A_214 : vector<8x4096xi1>, vector<8x4096xf32>
    %slice3A_230 = vector.extract_strided_slice %dot_general3A_14 {offsets = [120, 0], sizes = [8, 4096], strides = [1, 1]} : vector<512x4096xf32> to vector<8x4096xf32>
    %add3A_231 = vector.broadcast %broadcast_in_dim3A : vector<1x4096xf32> to vector<8x4096xf32>
    %add3A_232 = arith.addf %add3A_231, %slice3A_230 : vector<8x4096xf32>
    %slice3A_233 = vector.extract_strided_slice %reduce_sum3A_10 {offsets = [120], sizes = [8], strides = [1]} : vector<512xf32> to vector<8xf32>
    %broadcast_in_dim3A_234 = vector.shape_cast %slice3A_233 : vector<8xf32> to vector<8x1xf32>
    %add3A_235 = vector.broadcast %broadcast_in_dim3A_234 : vector<8x1xf32> to vector<8x4096xf32>
    %add3A_236 = arith.addf %add3A_232, %add3A_235 : vector<8x4096xf32>
    %lt3A_237 = arith.cmpf olt, %add3A_236, %select_n3A_229 : vector<8x4096xf32>
    %add3A_238 = arith.constant 120 : i32
    %add3A_239 = vector.broadcast %add3A_238 : i32 to vector<8x1xi32>
    %add3A_240 = arith.addi %add3A_239, %iota3A : vector<8x1xi32>
    %broadcast_in_dim3A_241 = vector.shape_cast %add3A_240 : vector<8x1xi32> to vector<8x1xi32>
    %broadcast_in_dim3A_242 = vector.broadcast %broadcast_in_dim3A_241 : vector<8x1xi32> to vector<8x4096xi32>
    %select_n3A_243 = arith.select %lt3A_237, %broadcast_in_dim3A_242, %select_n3A_228 : vector<8x4096xi1>, vector<8x4096xi32>
    %select_n3A_244 = arith.select %lt3A_237, %add3A_236, %select_n3A_229 : vector<8x4096xi1>, vector<8x4096xf32>
    %slice3A_245 = vector.extract_strided_slice %dot_general3A_14 {offsets = [128, 0], sizes = [8, 4096], strides = [1, 1]} : vector<512x4096xf32> to vector<8x4096xf32>
    %add3A_246 = vector.broadcast %broadcast_in_dim3A : vector<1x4096xf32> to vector<8x4096xf32>
    %add3A_247 = arith.addf %add3A_246, %slice3A_245 : vector<8x4096xf32>
    %slice3A_248 = vector.extract_strided_slice %reduce_sum3A_10 {offsets = [128], sizes = [8], strides = [1]} : vector<512xf32> to vector<8xf32>
    %broadcast_in_dim3A_249 = vector.shape_cast %slice3A_248 : vector<8xf32> to vector<8x1xf32>
    %add3A_250 = vector.broadcast %broadcast_in_dim3A_249 : vector<8x1xf32> to vector<8x4096xf32>
    %add3A_251 = arith.addf %add3A_247, %add3A_250 : vector<8x4096xf32>
    %lt3A_252 = arith.cmpf olt, %add3A_251, %select_n3A_244 : vector<8x4096xf32>
    %add3A_253 = arith.constant 128 : i32
    %add3A_254 = vector.broadcast %add3A_253 : i32 to vector<8x1xi32>
    %add3A_255 = arith.addi %add3A_254, %iota3A : vector<8x1xi32>
    %broadcast_in_dim3A_256 = vector.shape_cast %add3A_255 : vector<8x1xi32> to vector<8x1xi32>
    %broadcast_in_dim3A_257 = vector.broadcast %broadcast_in_dim3A_256 : vector<8x1xi32> to vector<8x4096xi32>
    %select_n3A_258 = arith.select %lt3A_252, %broadcast_in_dim3A_257, %select_n3A_243 : vector<8x4096xi1>, vector<8x4096xi32>
    %select_n3A_259 = arith.select %lt3A_252, %add3A_251, %select_n3A_244 : vector<8x4096xi1>, vector<8x4096xf32>
    %slice3A_260 = vector.extract_strided_slice %dot_general3A_14 {offsets = [136, 0], sizes = [8, 4096], strides = [1, 1]} : vector<512x4096xf32> to vector<8x4096xf32>
    %add3A_261 = vector.broadcast %broadcast_in_dim3A : vector<1x4096xf32> to vector<8x4096xf32>
    %add3A_262 = arith.addf %add3A_261, %slice3A_260 : vector<8x4096xf32>
    %slice3A_263 = vector.extract_strided_slice %reduce_sum3A_10 {offsets = [136], sizes = [8], strides = [1]} : vector<512xf32> to vector<8xf32>
    %broadcast_in_dim3A_264 = vector.shape_cast %slice3A_263 : vector<8xf32> to vector<8x1xf32>
    %add3A_265 = vector.broadcast %broadcast_in_dim3A_264 : vector<8x1xf32> to vector<8x4096xf32>
    %add3A_266 = arith.addf %add3A_262, %add3A_265 : vector<8x4096xf32>
    %lt3A_267 = arith.cmpf olt, %add3A_266, %select_n3A_259 : vector<8x4096xf32>
    %add3A_268 = arith.constant 136 : i32
    %add3A_269 = vector.broadcast %add3A_268 : i32 to vector<8x1xi32>
    %add3A_270 = arith.addi %add3A_269, %iota3A : vector<8x1xi32>
    %broadcast_in_dim3A_271 = vector.shape_cast %add3A_270 : vector<8x1xi32> to vector<8x1xi32>
    %broadcast_in_dim3A_272 = vector.broadcast %broadcast_in_dim3A_271 : vector<8x1xi32> to vector<8x4096xi32>
    %select_n3A_273 = arith.select %lt3A_267, %broadcast_in_dim3A_272, %select_n3A_258 : vector<8x4096xi1>, vector<8x4096xi32>
    %select_n3A_274 = arith.select %lt3A_267, %add3A_266, %select_n3A_259 : vector<8x4096xi1>, vector<8x4096xf32>
    %slice3A_275 = vector.extract_strided_slice %dot_general3A_14 {offsets = [144, 0], sizes = [8, 4096], strides = [1, 1]} : vector<512x4096xf32> to vector<8x4096xf32>
    %add3A_276 = vector.broadcast %broadcast_in_dim3A : vector<1x4096xf32> to vector<8x4096xf32>
    %add3A_277 = arith.addf %add3A_276, %slice3A_275 : vector<8x4096xf32>
    %slice3A_278 = vector.extract_strided_slice %reduce_sum3A_10 {offsets = [144], sizes = [8], strides = [1]} : vector<512xf32> to vector<8xf32>
    %broadcast_in_dim3A_279 = vector.shape_cast %slice3A_278 : vector<8xf32> to vector<8x1xf32>
    %add3A_280 = vector.broadcast %broadcast_in_dim3A_279 : vector<8x1xf32> to vector<8x4096xf32>
    %add3A_281 = arith.addf %add3A_277, %add3A_280 : vector<8x4096xf32>
    %lt3A_282 = arith.cmpf olt, %add3A_281, %select_n3A_274 : vector<8x4096xf32>
    %add3A_283 = arith.constant 144 : i32
    %add3A_284 = vector.broadcast %add3A_283 : i32 to vector<8x1xi32>
    %add3A_285 = arith.addi %add3A_284, %iota3A : vector<8x1xi32>
    %broadcast_in_dim3A_286 = vector.shape_cast %add3A_285 : vector<8x1xi32> to vector<8x1xi32>
    %broadcast_in_dim3A_287 = vector.broadcast %broadcast_in_dim3A_286 : vector<8x1xi32> to vector<8x4096xi32>
    %select_n3A_288 = arith.select %lt3A_282, %broadcast_in_dim3A_287, %select_n3A_273 : vector<8x4096xi1>, vector<8x4096xi32>
    %select_n3A_289 = arith.select %lt3A_282, %add3A_281, %select_n3A_274 : vector<8x4096xi1>, vector<8x4096xf32>
    %slice3A_290 = vector.extract_strided_slice %dot_general3A_14 {offsets = [152, 0], sizes = [8, 4096], strides = [1, 1]} : vector<512x4096xf32> to vector<8x4096xf32>
    %add3A_291 = vector.broadcast %broadcast_in_dim3A : vector<1x4096xf32> to vector<8x4096xf32>
    %add3A_292 = arith.addf %add3A_291, %slice3A_290 : vector<8x4096xf32>
    %slice3A_293 = vector.extract_strided_slice %reduce_sum3A_10 {offsets = [152], sizes = [8], strides = [1]} : vector<512xf32> to vector<8xf32>
    %broadcast_in_dim3A_294 = vector.shape_cast %slice3A_293 : vector<8xf32> to vector<8x1xf32>
    %add3A_295 = vector.broadcast %broadcast_in_dim3A_294 : vector<8x1xf32> to vector<8x4096xf32>
    %add3A_296 = arith.addf %add3A_292, %add3A_295 : vector<8x4096xf32>
    %lt3A_297 = arith.cmpf olt, %add3A_296, %select_n3A_289 : vector<8x4096xf32>
    %add3A_298 = arith.constant 152 : i32
    %add3A_299 = vector.broadcast %add3A_298 : i32 to vector<8x1xi32>
    %add3A_300 = arith.addi %add3A_299, %iota3A : vector<8x1xi32>
    %broadcast_in_dim3A_301 = vector.shape_cast %add3A_300 : vector<8x1xi32> to vector<8x1xi32>
    %broadcast_in_dim3A_302 = vector.broadcast %broadcast_in_dim3A_301 : vector<8x1xi32> to vector<8x4096xi32>
    %select_n3A_303 = arith.select %lt3A_297, %broadcast_in_dim3A_302, %select_n3A_288 : vector<8x4096xi1>, vector<8x4096xi32>
    %select_n3A_304 = arith.select %lt3A_297, %add3A_296, %select_n3A_289 : vector<8x4096xi1>, vector<8x4096xf32>
    %slice3A_305 = vector.extract_strided_slice %dot_general3A_14 {offsets = [160, 0], sizes = [8, 4096], strides = [1, 1]} : vector<512x4096xf32> to vector<8x4096xf32>
    %add3A_306 = vector.broadcast %broadcast_in_dim3A : vector<1x4096xf32> to vector<8x4096xf32>
    %add3A_307 = arith.addf %add3A_306, %slice3A_305 : vector<8x4096xf32>
    %slice3A_308 = vector.extract_strided_slice %reduce_sum3A_10 {offsets = [160], sizes = [8], strides = [1]} : vector<512xf32> to vector<8xf32>
    %broadcast_in_dim3A_309 = vector.shape_cast %slice3A_308 : vector<8xf32> to vector<8x1xf32>
    %add3A_310 = vector.broadcast %broadcast_in_dim3A_309 : vector<8x1xf32> to vector<8x4096xf32>
    %add3A_311 = arith.addf %add3A_307, %add3A_310 : vector<8x4096xf32>
    %lt3A_312 = arith.cmpf olt, %add3A_311, %select_n3A_304 : vector<8x4096xf32>
    %add3A_313 = arith.constant 160 : i32
    %add3A_314 = vector.broadcast %add3A_313 : i32 to vector<8x1xi32>
    %add3A_315 = arith.addi %add3A_314, %iota3A : vector<8x1xi32>
    %broadcast_in_dim3A_316 = vector.shape_cast %add3A_315 : vector<8x1xi32> to vector<8x1xi32>
    %broadcast_in_dim3A_317 = vector.broadcast %broadcast_in_dim3A_316 : vector<8x1xi32> to vector<8x4096xi32>
    %select_n3A_318 = arith.select %lt3A_312, %broadcast_in_dim3A_317, %select_n3A_303 : vector<8x4096xi1>, vector<8x4096xi32>
    %select_n3A_319 = arith.select %lt3A_312, %add3A_311, %select_n3A_304 : vector<8x4096xi1>, vector<8x4096xf32>
    %slice3A_320 = vector.extract_strided_slice %dot_general3A_14 {offsets = [168, 0], sizes = [8, 4096], strides = [1, 1]} : vector<512x4096xf32> to vector<8x4096xf32>
    %add3A_321 = vector.broadcast %broadcast_in_dim3A : vector<1x4096xf32> to vector<8x4096xf32>
    %add3A_322 = arith.addf %add3A_321, %slice3A_320 : vector<8x4096xf32>
    %slice3A_323 = vector.extract_strided_slice %reduce_sum3A_10 {offsets = [168], sizes = [8], strides = [1]} : vector<512xf32> to vector<8xf32>
    %broadcast_in_dim3A_324 = vector.shape_cast %slice3A_323 : vector<8xf32> to vector<8x1xf32>
    %add3A_325 = vector.broadcast %broadcast_in_dim3A_324 : vector<8x1xf32> to vector<8x4096xf32>
    %add3A_326 = arith.addf %add3A_322, %add3A_325 : vector<8x4096xf32>
    %lt3A_327 = arith.cmpf olt, %add3A_326, %select_n3A_319 : vector<8x4096xf32>
    %add3A_328 = arith.constant 168 : i32
    %add3A_329 = vector.broadcast %add3A_328 : i32 to vector<8x1xi32>
    %add3A_330 = arith.addi %add3A_329, %iota3A : vector<8x1xi32>
    %broadcast_in_dim3A_331 = vector.shape_cast %add3A_330 : vector<8x1xi32> to vector<8x1xi32>
    %broadcast_in_dim3A_332 = vector.broadcast %broadcast_in_dim3A_331 : vector<8x1xi32> to vector<8x4096xi32>
    %select_n3A_333 = arith.select %lt3A_327, %broadcast_in_dim3A_332, %select_n3A_318 : vector<8x4096xi1>, vector<8x4096xi32>
    %select_n3A_334 = arith.select %lt3A_327, %add3A_326, %select_n3A_319 : vector<8x4096xi1>, vector<8x4096xf32>
    %slice3A_335 = vector.extract_strided_slice %dot_general3A_14 {offsets = [176, 0], sizes = [8, 4096], strides = [1, 1]} : vector<512x4096xf32> to vector<8x4096xf32>
    %add3A_336 = vector.broadcast %broadcast_in_dim3A : vector<1x4096xf32> to vector<8x4096xf32>
    %add3A_337 = arith.addf %add3A_336, %slice3A_335 : vector<8x4096xf32>
    %slice3A_338 = vector.extract_strided_slice %reduce_sum3A_10 {offsets = [176], sizes = [8], strides = [1]} : vector<512xf32> to vector<8xf32>
    %broadcast_in_dim3A_339 = vector.shape_cast %slice3A_338 : vector<8xf32> to vector<8x1xf32>
    %add3A_340 = vector.broadcast %broadcast_in_dim3A_339 : vector<8x1xf32> to vector<8x4096xf32>
    %add3A_341 = arith.addf %add3A_337, %add3A_340 : vector<8x4096xf32>
    %lt3A_342 = arith.cmpf olt, %add3A_341, %select_n3A_334 : vector<8x4096xf32>
    %add3A_343 = arith.constant 176 : i32
    %add3A_344 = vector.broadcast %add3A_343 : i32 to vector<8x1xi32>
    %add3A_345 = arith.addi %add3A_344, %iota3A : vector<8x1xi32>
    %broadcast_in_dim3A_346 = vector.shape_cast %add3A_345 : vector<8x1xi32> to vector<8x1xi32>
    %broadcast_in_dim3A_347 = vector.broadcast %broadcast_in_dim3A_346 : vector<8x1xi32> to vector<8x4096xi32>
    %select_n3A_348 = arith.select %lt3A_342, %broadcast_in_dim3A_347, %select_n3A_333 : vector<8x4096xi1>, vector<8x4096xi32>
    %select_n3A_349 = arith.select %lt3A_342, %add3A_341, %select_n3A_334 : vector<8x4096xi1>, vector<8x4096xf32>
    %slice3A_350 = vector.extract_strided_slice %dot_general3A_14 {offsets = [184, 0], sizes = [8, 4096], strides = [1, 1]} : vector<512x4096xf32> to vector<8x4096xf32>
    %add3A_351 = vector.broadcast %broadcast_in_dim3A : vector<1x4096xf32> to vector<8x4096xf32>
    %add3A_352 = arith.addf %add3A_351, %slice3A_350 : vector<8x4096xf32>
    %slice3A_353 = vector.extract_strided_slice %reduce_sum3A_10 {offsets = [184], sizes = [8], strides = [1]} : vector<512xf32> to vector<8xf32>
    %broadcast_in_dim3A_354 = vector.shape_cast %slice3A_353 : vector<8xf32> to vector<8x1xf32>
    %add3A_355 = vector.broadcast %broadcast_in_dim3A_354 : vector<8x1xf32> to vector<8x4096xf32>
    %add3A_356 = arith.addf %add3A_352, %add3A_355 : vector<8x4096xf32>
    %lt3A_357 = arith.cmpf olt, %add3A_356, %select_n3A_349 : vector<8x4096xf32>
    %add3A_358 = arith.constant 184 : i32
    %add3A_359 = vector.broadcast %add3A_358 : i32 to vector<8x1xi32>
    %add3A_360 = arith.addi %add3A_359, %iota3A : vector<8x1xi32>
    %broadcast_in_dim3A_361 = vector.shape_cast %add3A_360 : vector<8x1xi32> to vector<8x1xi32>
    %broadcast_in_dim3A_362 = vector.broadcast %broadcast_in_dim3A_361 : vector<8x1xi32> to vector<8x4096xi32>
    %select_n3A_363 = arith.select %lt3A_357, %broadcast_in_dim3A_362, %select_n3A_348 : vector<8x4096xi1>, vector<8x4096xi32>
    %select_n3A_364 = arith.select %lt3A_357, %add3A_356, %select_n3A_349 : vector<8x4096xi1>, vector<8x4096xf32>
    %slice3A_365 = vector.extract_strided_slice %dot_general3A_14 {offsets = [192, 0], sizes = [8, 4096], strides = [1, 1]} : vector<512x4096xf32> to vector<8x4096xf32>
    %add3A_366 = vector.broadcast %broadcast_in_dim3A : vector<1x4096xf32> to vector<8x4096xf32>
    %add3A_367 = arith.addf %add3A_366, %slice3A_365 : vector<8x4096xf32>
    %slice3A_368 = vector.extract_strided_slice %reduce_sum3A_10 {offsets = [192], sizes = [8], strides = [1]} : vector<512xf32> to vector<8xf32>
    %broadcast_in_dim3A_369 = vector.shape_cast %slice3A_368 : vector<8xf32> to vector<8x1xf32>
    %add3A_370 = vector.broadcast %broadcast_in_dim3A_369 : vector<8x1xf32> to vector<8x4096xf32>
    %add3A_371 = arith.addf %add3A_367, %add3A_370 : vector<8x4096xf32>
    %lt3A_372 = arith.cmpf olt, %add3A_371, %select_n3A_364 : vector<8x4096xf32>
    %add3A_373 = arith.constant 192 : i32
    %add3A_374 = vector.broadcast %add3A_373 : i32 to vector<8x1xi32>
    %add3A_375 = arith.addi %add3A_374, %iota3A : vector<8x1xi32>
    %broadcast_in_dim3A_376 = vector.shape_cast %add3A_375 : vector<8x1xi32> to vector<8x1xi32>
    %broadcast_in_dim3A_377 = vector.broadcast %broadcast_in_dim3A_376 : vector<8x1xi32> to vector<8x4096xi32>
    %select_n3A_378 = arith.select %lt3A_372, %broadcast_in_dim3A_377, %select_n3A_363 : vector<8x4096xi1>, vector<8x4096xi32>
    %select_n3A_379 = arith.select %lt3A_372, %add3A_371, %select_n3A_364 : vector<8x4096xi1>, vector<8x4096xf32>
    %slice3A_380 = vector.extract_strided_slice %dot_general3A_14 {offsets = [200, 0], sizes = [8, 4096], strides = [1, 1]} : vector<512x4096xf32> to vector<8x4096xf32>
    %add3A_381 = vector.broadcast %broadcast_in_dim3A : vector<1x4096xf32> to vector<8x4096xf32>
    %add3A_382 = arith.addf %add3A_381, %slice3A_380 : vector<8x4096xf32>
    %slice3A_383 = vector.extract_strided_slice %reduce_sum3A_10 {offsets = [200], sizes = [8], strides = [1]} : vector<512xf32> to vector<8xf32>
    %broadcast_in_dim3A_384 = vector.shape_cast %slice3A_383 : vector<8xf32> to vector<8x1xf32>
    %add3A_385 = vector.broadcast %broadcast_in_dim3A_384 : vector<8x1xf32> to vector<8x4096xf32>
    %add3A_386 = arith.addf %add3A_382, %add3A_385 : vector<8x4096xf32>
    %lt3A_387 = arith.cmpf olt, %add3A_386, %select_n3A_379 : vector<8x4096xf32>
    %add3A_388 = arith.constant 200 : i32
    %add3A_389 = vector.broadcast %add3A_388 : i32 to vector<8x1xi32>
    %add3A_390 = arith.addi %add3A_389, %iota3A : vector<8x1xi32>
    %broadcast_in_dim3A_391 = vector.shape_cast %add3A_390 : vector<8x1xi32> to vector<8x1xi32>
    %broadcast_in_dim3A_392 = vector.broadcast %broadcast_in_dim3A_391 : vector<8x1xi32> to vector<8x4096xi32>
    %select_n3A_393 = arith.select %lt3A_387, %broadcast_in_dim3A_392, %select_n3A_378 : vector<8x4096xi1>, vector<8x4096xi32>
    %select_n3A_394 = arith.select %lt3A_387, %add3A_386, %select_n3A_379 : vector<8x4096xi1>, vector<8x4096xf32>
    %slice3A_395 = vector.extract_strided_slice %dot_general3A_14 {offsets = [208, 0], sizes = [8, 4096], strides = [1, 1]} : vector<512x4096xf32> to vector<8x4096xf32>
    %add3A_396 = vector.broadcast %broadcast_in_dim3A : vector<1x4096xf32> to vector<8x4096xf32>
    %add3A_397 = arith.addf %add3A_396, %slice3A_395 : vector<8x4096xf32>
    %slice3A_398 = vector.extract_strided_slice %reduce_sum3A_10 {offsets = [208], sizes = [8], strides = [1]} : vector<512xf32> to vector<8xf32>
    %broadcast_in_dim3A_399 = vector.shape_cast %slice3A_398 : vector<8xf32> to vector<8x1xf32>
    %add3A_400 = vector.broadcast %broadcast_in_dim3A_399 : vector<8x1xf32> to vector<8x4096xf32>
    %add3A_401 = arith.addf %add3A_397, %add3A_400 : vector<8x4096xf32>
    %lt3A_402 = arith.cmpf olt, %add3A_401, %select_n3A_394 : vector<8x4096xf32>
    %add3A_403 = arith.constant 208 : i32
    %add3A_404 = vector.broadcast %add3A_403 : i32 to vector<8x1xi32>
    %add3A_405 = arith.addi %add3A_404, %iota3A : vector<8x1xi32>
    %broadcast_in_dim3A_406 = vector.shape_cast %add3A_405 : vector<8x1xi32> to vector<8x1xi32>
    %broadcast_in_dim3A_407 = vector.broadcast %broadcast_in_dim3A_406 : vector<8x1xi32> to vector<8x4096xi32>
    %select_n3A_408 = arith.select %lt3A_402, %broadcast_in_dim3A_407, %select_n3A_393 : vector<8x4096xi1>, vector<8x4096xi32>
    %select_n3A_409 = arith.select %lt3A_402, %add3A_401, %select_n3A_394 : vector<8x4096xi1>, vector<8x4096xf32>
    %slice3A_410 = vector.extract_strided_slice %dot_general3A_14 {offsets = [216, 0], sizes = [8, 4096], strides = [1, 1]} : vector<512x4096xf32> to vector<8x4096xf32>
    %add3A_411 = vector.broadcast %broadcast_in_dim3A : vector<1x4096xf32> to vector<8x4096xf32>
    %add3A_412 = arith.addf %add3A_411, %slice3A_410 : vector<8x4096xf32>
    %slice3A_413 = vector.extract_strided_slice %reduce_sum3A_10 {offsets = [216], sizes = [8], strides = [1]} : vector<512xf32> to vector<8xf32>
    %broadcast_in_dim3A_414 = vector.shape_cast %slice3A_413 : vector<8xf32> to vector<8x1xf32>
    %add3A_415 = vector.broadcast %broadcast_in_dim3A_414 : vector<8x1xf32> to vector<8x4096xf32>
    %add3A_416 = arith.addf %add3A_412, %add3A_415 : vector<8x4096xf32>
    %lt3A_417 = arith.cmpf olt, %add3A_416, %select_n3A_409 : vector<8x4096xf32>
    %add3A_418 = arith.constant 216 : i32
    %add3A_419 = vector.broadcast %add3A_418 : i32 to vector<8x1xi32>
    %add3A_420 = arith.addi %add3A_419, %iota3A : vector<8x1xi32>
    %broadcast_in_dim3A_421 = vector.shape_cast %add3A_420 : vector<8x1xi32> to vector<8x1xi32>
    %broadcast_in_dim3A_422 = vector.broadcast %broadcast_in_dim3A_421 : vector<8x1xi32> to vector<8x4096xi32>
    %select_n3A_423 = arith.select %lt3A_417, %broadcast_in_dim3A_422, %select_n3A_408 : vector<8x4096xi1>, vector<8x4096xi32>
    %select_n3A_424 = arith.select %lt3A_417, %add3A_416, %select_n3A_409 : vector<8x4096xi1>, vector<8x4096xf32>
    %slice3A_425 = vector.extract_strided_slice %dot_general3A_14 {offsets = [224, 0], sizes = [8, 4096], strides = [1, 1]} : vector<512x4096xf32> to vector<8x4096xf32>
    %add3A_426 = vector.broadcast %broadcast_in_dim3A : vector<1x4096xf32> to vector<8x4096xf32>
    %add3A_427 = arith.addf %add3A_426, %slice3A_425 : vector<8x4096xf32>
    %slice3A_428 = vector.extract_strided_slice %reduce_sum3A_10 {offsets = [224], sizes = [8], strides = [1]} : vector<512xf32> to vector<8xf32>
    %broadcast_in_dim3A_429 = vector.shape_cast %slice3A_428 : vector<8xf32> to vector<8x1xf32>
    %add3A_430 = vector.broadcast %broadcast_in_dim3A_429 : vector<8x1xf32> to vector<8x4096xf32>
    %add3A_431 = arith.addf %add3A_427, %add3A_430 : vector<8x4096xf32>
    %lt3A_432 = arith.cmpf olt, %add3A_431, %select_n3A_424 : vector<8x4096xf32>
    %add3A_433 = arith.constant 224 : i32
    %add3A_434 = vector.broadcast %add3A_433 : i32 to vector<8x1xi32>
    %add3A_435 = arith.addi %add3A_434, %iota3A : vector<8x1xi32>
    %broadcast_in_dim3A_436 = vector.shape_cast %add3A_435 : vector<8x1xi32> to vector<8x1xi32>
    %broadcast_in_dim3A_437 = vector.broadcast %broadcast_in_dim3A_436 : vector<8x1xi32> to vector<8x4096xi32>
    %select_n3A_438 = arith.select %lt3A_432, %broadcast_in_dim3A_437, %select_n3A_423 : vector<8x4096xi1>, vector<8x4096xi32>
    %select_n3A_439 = arith.select %lt3A_432, %add3A_431, %select_n3A_424 : vector<8x4096xi1>, vector<8x4096xf32>
    %slice3A_440 = vector.extract_strided_slice %dot_general3A_14 {offsets = [232, 0], sizes = [8, 4096], strides = [1, 1]} : vector<512x4096xf32> to vector<8x4096xf32>
    %add3A_441 = vector.broadcast %broadcast_in_dim3A : vector<1x4096xf32> to vector<8x4096xf32>
    %add3A_442 = arith.addf %add3A_441, %slice3A_440 : vector<8x4096xf32>
    %slice3A_443 = vector.extract_strided_slice %reduce_sum3A_10 {offsets = [232], sizes = [8], strides = [1]} : vector<512xf32> to vector<8xf32>
    %broadcast_in_dim3A_444 = vector.shape_cast %slice3A_443 : vector<8xf32> to vector<8x1xf32>
    %add3A_445 = vector.broadcast %broadcast_in_dim3A_444 : vector<8x1xf32> to vector<8x4096xf32>
    %add3A_446 = arith.addf %add3A_442, %add3A_445 : vector<8x4096xf32>
    %lt3A_447 = arith.cmpf olt, %add3A_446, %select_n3A_439 : vector<8x4096xf32>
    %add3A_448 = arith.constant 232 : i32
    %add3A_449 = vector.broadcast %add3A_448 : i32 to vector<8x1xi32>
    %add3A_450 = arith.addi %add3A_449, %iota3A : vector<8x1xi32>
    %broadcast_in_dim3A_451 = vector.shape_cast %add3A_450 : vector<8x1xi32> to vector<8x1xi32>
    %broadcast_in_dim3A_452 = vector.broadcast %broadcast_in_dim3A_451 : vector<8x1xi32> to vector<8x4096xi32>
    %select_n3A_453 = arith.select %lt3A_447, %broadcast_in_dim3A_452, %select_n3A_438 : vector<8x4096xi1>, vector<8x4096xi32>
    %select_n3A_454 = arith.select %lt3A_447, %add3A_446, %select_n3A_439 : vector<8x4096xi1>, vector<8x4096xf32>
    %slice3A_455 = vector.extract_strided_slice %dot_general3A_14 {offsets = [240, 0], sizes = [8, 4096], strides = [1, 1]} : vector<512x4096xf32> to vector<8x4096xf32>
    %add3A_456 = vector.broadcast %broadcast_in_dim3A : vector<1x4096xf32> to vector<8x4096xf32>
    %add3A_457 = arith.addf %add3A_456, %slice3A_455 : vector<8x4096xf32>
    %slice3A_458 = vector.extract_strided_slice %reduce_sum3A_10 {offsets = [240], sizes = [8], strides = [1]} : vector<512xf32> to vector<8xf32>
    %broadcast_in_dim3A_459 = vector.shape_cast %slice3A_458 : vector<8xf32> to vector<8x1xf32>
    %add3A_460 = vector.broadcast %broadcast_in_dim3A_459 : vector<8x1xf32> to vector<8x4096xf32>
    %add3A_461 = arith.addf %add3A_457, %add3A_460 : vector<8x4096xf32>
    %lt3A_462 = arith.cmpf olt, %add3A_461, %select_n3A_454 : vector<8x4096xf32>
    %add3A_463 = arith.constant 240 : i32
    %add3A_464 = vector.broadcast %add3A_463 : i32 to vector<8x1xi32>
    %add3A_465 = arith.addi %add3A_464, %iota3A : vector<8x1xi32>
    %broadcast_in_dim3A_466 = vector.shape_cast %add3A_465 : vector<8x1xi32> to vector<8x1xi32>
    %broadcast_in_dim3A_467 = vector.broadcast %broadcast_in_dim3A_466 : vector<8x1xi32> to vector<8x4096xi32>
    %select_n3A_468 = arith.select %lt3A_462, %broadcast_in_dim3A_467, %select_n3A_453 : vector<8x4096xi1>, vector<8x4096xi32>
    %select_n3A_469 = arith.select %lt3A_462, %add3A_461, %select_n3A_454 : vector<8x4096xi1>, vector<8x4096xf32>
    %slice3A_470 = vector.extract_strided_slice %dot_general3A_14 {offsets = [248, 0], sizes = [8, 4096], strides = [1, 1]} : vector<512x4096xf32> to vector<8x4096xf32>
    %add3A_471 = vector.broadcast %broadcast_in_dim3A : vector<1x4096xf32> to vector<8x4096xf32>
    %add3A_472 = arith.addf %add3A_471, %slice3A_470 : vector<8x4096xf32>
    %slice3A_473 = vector.extract_strided_slice %reduce_sum3A_10 {offsets = [248], sizes = [8], strides = [1]} : vector<512xf32> to vector<8xf32>
    %broadcast_in_dim3A_474 = vector.shape_cast %slice3A_473 : vector<8xf32> to vector<8x1xf32>
    %add3A_475 = vector.broadcast %broadcast_in_dim3A_474 : vector<8x1xf32> to vector<8x4096xf32>
    %add3A_476 = arith.addf %add3A_472, %add3A_475 : vector<8x4096xf32>
    %lt3A_477 = arith.cmpf olt, %add3A_476, %select_n3A_469 : vector<8x4096xf32>
    %add3A_478 = arith.constant 248 : i32
    %add3A_479 = vector.broadcast %add3A_478 : i32 to vector<8x1xi32>
    %add3A_480 = arith.addi %add3A_479, %iota3A : vector<8x1xi32>
    %broadcast_in_dim3A_481 = vector.shape_cast %add3A_480 : vector<8x1xi32> to vector<8x1xi32>
    %broadcast_in_dim3A_482 = vector.broadcast %broadcast_in_dim3A_481 : vector<8x1xi32> to vector<8x4096xi32>
    %select_n3A_483 = arith.select %lt3A_477, %broadcast_in_dim3A_482, %select_n3A_468 : vector<8x4096xi1>, vector<8x4096xi32>
    %select_n3A_484 = arith.select %lt3A_477, %add3A_476, %select_n3A_469 : vector<8x4096xi1>, vector<8x4096xf32>
    %slice3A_485 = vector.extract_strided_slice %dot_general3A_14 {offsets = [256, 0], sizes = [8, 4096], strides = [1, 1]} : vector<512x4096xf32> to vector<8x4096xf32>
    %add3A_486 = vector.broadcast %broadcast_in_dim3A : vector<1x4096xf32> to vector<8x4096xf32>
    %add3A_487 = arith.addf %add3A_486, %slice3A_485 : vector<8x4096xf32>
    %slice3A_488 = vector.extract_strided_slice %reduce_sum3A_10 {offsets = [256], sizes = [8], strides = [1]} : vector<512xf32> to vector<8xf32>
    %broadcast_in_dim3A_489 = vector.shape_cast %slice3A_488 : vector<8xf32> to vector<8x1xf32>
    %add3A_490 = vector.broadcast %broadcast_in_dim3A_489 : vector<8x1xf32> to vector<8x4096xf32>
    %add3A_491 = arith.addf %add3A_487, %add3A_490 : vector<8x4096xf32>
    %lt3A_492 = arith.cmpf olt, %add3A_491, %select_n3A_484 : vector<8x4096xf32>
    %add3A_493 = arith.constant 256 : i32
    %add3A_494 = vector.broadcast %add3A_493 : i32 to vector<8x1xi32>
    %add3A_495 = arith.addi %add3A_494, %iota3A : vector<8x1xi32>
    %broadcast_in_dim3A_496 = vector.shape_cast %add3A_495 : vector<8x1xi32> to vector<8x1xi32>
    %broadcast_in_dim3A_497 = vector.broadcast %broadcast_in_dim3A_496 : vector<8x1xi32> to vector<8x4096xi32>
    %select_n3A_498 = arith.select %lt3A_492, %broadcast_in_dim3A_497, %select_n3A_483 : vector<8x4096xi1>, vector<8x4096xi32>
    %select_n3A_499 = arith.select %lt3A_492, %add3A_491, %select_n3A_484 : vector<8x4096xi1>, vector<8x4096xf32>
    %slice3A_500 = vector.extract_strided_slice %dot_general3A_14 {offsets = [264, 0], sizes = [8, 4096], strides = [1, 1]} : vector<512x4096xf32> to vector<8x4096xf32>
    %add3A_501 = vector.broadcast %broadcast_in_dim3A : vector<1x4096xf32> to vector<8x4096xf32>
    %add3A_502 = arith.addf %add3A_501, %slice3A_500 : vector<8x4096xf32>
    %slice3A_503 = vector.extract_strided_slice %reduce_sum3A_10 {offsets = [264], sizes = [8], strides = [1]} : vector<512xf32> to vector<8xf32>
    %broadcast_in_dim3A_504 = vector.shape_cast %slice3A_503 : vector<8xf32> to vector<8x1xf32>
    %add3A_505 = vector.broadcast %broadcast_in_dim3A_504 : vector<8x1xf32> to vector<8x4096xf32>
    %add3A_506 = arith.addf %add3A_502, %add3A_505 : vector<8x4096xf32>
    %lt3A_507 = arith.cmpf olt, %add3A_506, %select_n3A_499 : vector<8x4096xf32>
    %add3A_508 = arith.constant 264 : i32
    %add3A_509 = vector.broadcast %add3A_508 : i32 to vector<8x1xi32>
    %add3A_510 = arith.addi %add3A_509, %iota3A : vector<8x1xi32>
    %broadcast_in_dim3A_511 = vector.shape_cast %add3A_510 : vector<8x1xi32> to vector<8x1xi32>
    %broadcast_in_dim3A_512 = vector.broadcast %broadcast_in_dim3A_511 : vector<8x1xi32> to vector<8x4096xi32>
    %select_n3A_513 = arith.select %lt3A_507, %broadcast_in_dim3A_512, %select_n3A_498 : vector<8x4096xi1>, vector<8x4096xi32>
    %select_n3A_514 = arith.select %lt3A_507, %add3A_506, %select_n3A_499 : vector<8x4096xi1>, vector<8x4096xf32>
    %slice3A_515 = vector.extract_strided_slice %dot_general3A_14 {offsets = [272, 0], sizes = [8, 4096], strides = [1, 1]} : vector<512x4096xf32> to vector<8x4096xf32>
    %add3A_516 = vector.broadcast %broadcast_in_dim3A : vector<1x4096xf32> to vector<8x4096xf32>
    %add3A_517 = arith.addf %add3A_516, %slice3A_515 : vector<8x4096xf32>
    %slice3A_518 = vector.extract_strided_slice %reduce_sum3A_10 {offsets = [272], sizes = [8], strides = [1]} : vector<512xf32> to vector<8xf32>
    %broadcast_in_dim3A_519 = vector.shape_cast %slice3A_518 : vector<8xf32> to vector<8x1xf32>
    %add3A_520 = vector.broadcast %broadcast_in_dim3A_519 : vector<8x1xf32> to vector<8x4096xf32>
    %add3A_521 = arith.addf %add3A_517, %add3A_520 : vector<8x4096xf32>
    %lt3A_522 = arith.cmpf olt, %add3A_521, %select_n3A_514 : vector<8x4096xf32>
    %add3A_523 = arith.constant 272 : i32
    %add3A_524 = vector.broadcast %add3A_523 : i32 to vector<8x1xi32>
    %add3A_525 = arith.addi %add3A_524, %iota3A : vector<8x1xi32>
    %broadcast_in_dim3A_526 = vector.shape_cast %add3A_525 : vector<8x1xi32> to vector<8x1xi32>
    %broadcast_in_dim3A_527 = vector.broadcast %broadcast_in_dim3A_526 : vector<8x1xi32> to vector<8x4096xi32>
    %select_n3A_528 = arith.select %lt3A_522, %broadcast_in_dim3A_527, %select_n3A_513 : vector<8x4096xi1>, vector<8x4096xi32>
    %select_n3A_529 = arith.select %lt3A_522, %add3A_521, %select_n3A_514 : vector<8x4096xi1>, vector<8x4096xf32>
    %slice3A_530 = vector.extract_strided_slice %dot_general3A_14 {offsets = [280, 0], sizes = [8, 4096], strides = [1, 1]} : vector<512x4096xf32> to vector<8x4096xf32>
    %add3A_531 = vector.broadcast %broadcast_in_dim3A : vector<1x4096xf32> to vector<8x4096xf32>
    %add3A_532 = arith.addf %add3A_531, %slice3A_530 : vector<8x4096xf32>
    %slice3A_533 = vector.extract_strided_slice %reduce_sum3A_10 {offsets = [280], sizes = [8], strides = [1]} : vector<512xf32> to vector<8xf32>
    %broadcast_in_dim3A_534 = vector.shape_cast %slice3A_533 : vector<8xf32> to vector<8x1xf32>
    %add3A_535 = vector.broadcast %broadcast_in_dim3A_534 : vector<8x1xf32> to vector<8x4096xf32>
    %add3A_536 = arith.addf %add3A_532, %add3A_535 : vector<8x4096xf32>
    %lt3A_537 = arith.cmpf olt, %add3A_536, %select_n3A_529 : vector<8x4096xf32>
    %add3A_538 = arith.constant 280 : i32
    %add3A_539 = vector.broadcast %add3A_538 : i32 to vector<8x1xi32>
    %add3A_540 = arith.addi %add3A_539, %iota3A : vector<8x1xi32>
    %broadcast_in_dim3A_541 = vector.shape_cast %add3A_540 : vector<8x1xi32> to vector<8x1xi32>
    %broadcast_in_dim3A_542 = vector.broadcast %broadcast_in_dim3A_541 : vector<8x1xi32> to vector<8x4096xi32>
    %select_n3A_543 = arith.select %lt3A_537, %broadcast_in_dim3A_542, %select_n3A_528 : vector<8x4096xi1>, vector<8x4096xi32>
    %select_n3A_544 = arith.select %lt3A_537, %add3A_536, %select_n3A_529 : vector<8x4096xi1>, vector<8x4096xf32>
    %slice3A_545 = vector.extract_strided_slice %dot_general3A_14 {offsets = [288, 0], sizes = [8, 4096], strides = [1, 1]} : vector<512x4096xf32> to vector<8x4096xf32>
    %add3A_546 = vector.broadcast %broadcast_in_dim3A : vector<1x4096xf32> to vector<8x4096xf32>
    %add3A_547 = arith.addf %add3A_546, %slice3A_545 : vector<8x4096xf32>
    %slice3A_548 = vector.extract_strided_slice %reduce_sum3A_10 {offsets = [288], sizes = [8], strides = [1]} : vector<512xf32> to vector<8xf32>
    %broadcast_in_dim3A_549 = vector.shape_cast %slice3A_548 : vector<8xf32> to vector<8x1xf32>
    %add3A_550 = vector.broadcast %broadcast_in_dim3A_549 : vector<8x1xf32> to vector<8x4096xf32>
    %add3A_551 = arith.addf %add3A_547, %add3A_550 : vector<8x4096xf32>
    %lt3A_552 = arith.cmpf olt, %add3A_551, %select_n3A_544 : vector<8x4096xf32>
    %add3A_553 = arith.constant 288 : i32
    %add3A_554 = vector.broadcast %add3A_553 : i32 to vector<8x1xi32>
    %add3A_555 = arith.addi %add3A_554, %iota3A : vector<8x1xi32>
    %broadcast_in_dim3A_556 = vector.shape_cast %add3A_555 : vector<8x1xi32> to vector<8x1xi32>
    %broadcast_in_dim3A_557 = vector.broadcast %broadcast_in_dim3A_556 : vector<8x1xi32> to vector<8x4096xi32>
    %select_n3A_558 = arith.select %lt3A_552, %broadcast_in_dim3A_557, %select_n3A_543 : vector<8x4096xi1>, vector<8x4096xi32>
    %select_n3A_559 = arith.select %lt3A_552, %add3A_551, %select_n3A_544 : vector<8x4096xi1>, vector<8x4096xf32>
    %slice3A_560 = vector.extract_strided_slice %dot_general3A_14 {offsets = [296, 0], sizes = [8, 4096], strides = [1, 1]} : vector<512x4096xf32> to vector<8x4096xf32>
    %add3A_561 = vector.broadcast %broadcast_in_dim3A : vector<1x4096xf32> to vector<8x4096xf32>
    %add3A_562 = arith.addf %add3A_561, %slice3A_560 : vector<8x4096xf32>
    %slice3A_563 = vector.extract_strided_slice %reduce_sum3A_10 {offsets = [296], sizes = [8], strides = [1]} : vector<512xf32> to vector<8xf32>
    %broadcast_in_dim3A_564 = vector.shape_cast %slice3A_563 : vector<8xf32> to vector<8x1xf32>
    %add3A_565 = vector.broadcast %broadcast_in_dim3A_564 : vector<8x1xf32> to vector<8x4096xf32>
    %add3A_566 = arith.addf %add3A_562, %add3A_565 : vector<8x4096xf32>
    %lt3A_567 = arith.cmpf olt, %add3A_566, %select_n3A_559 : vector<8x4096xf32>
    %add3A_568 = arith.constant 296 : i32
    %add3A_569 = vector.broadcast %add3A_568 : i32 to vector<8x1xi32>
    %add3A_570 = arith.addi %add3A_569, %iota3A : vector<8x1xi32>
    %broadcast_in_dim3A_571 = vector.shape_cast %add3A_570 : vector<8x1xi32> to vector<8x1xi32>
    %broadcast_in_dim3A_572 = vector.broadcast %broadcast_in_dim3A_571 : vector<8x1xi32> to vector<8x4096xi32>
    %select_n3A_573 = arith.select %lt3A_567, %broadcast_in_dim3A_572, %select_n3A_558 : vector<8x4096xi1>, vector<8x4096xi32>
    %select_n3A_574 = arith.select %lt3A_567, %add3A_566, %select_n3A_559 : vector<8x4096xi1>, vector<8x4096xf32>
    %slice3A_575 = vector.extract_strided_slice %dot_general3A_14 {offsets = [304, 0], sizes = [8, 4096], strides = [1, 1]} : vector<512x4096xf32> to vector<8x4096xf32>
    %add3A_576 = vector.broadcast %broadcast_in_dim3A : vector<1x4096xf32> to vector<8x4096xf32>
    %add3A_577 = arith.addf %add3A_576, %slice3A_575 : vector<8x4096xf32>
    %slice3A_578 = vector.extract_strided_slice %reduce_sum3A_10 {offsets = [304], sizes = [8], strides = [1]} : vector<512xf32> to vector<8xf32>
    %broadcast_in_dim3A_579 = vector.shape_cast %slice3A_578 : vector<8xf32> to vector<8x1xf32>
    %add3A_580 = vector.broadcast %broadcast_in_dim3A_579 : vector<8x1xf32> to vector<8x4096xf32>
    %add3A_581 = arith.addf %add3A_577, %add3A_580 : vector<8x4096xf32>
    %lt3A_582 = arith.cmpf olt, %add3A_581, %select_n3A_574 : vector<8x4096xf32>
    %add3A_583 = arith.constant 304 : i32
    %add3A_584 = vector.broadcast %add3A_583 : i32 to vector<8x1xi32>
    %add3A_585 = arith.addi %add3A_584, %iota3A : vector<8x1xi32>
    %broadcast_in_dim3A_586 = vector.shape_cast %add3A_585 : vector<8x1xi32> to vector<8x1xi32>
    %broadcast_in_dim3A_587 = vector.broadcast %broadcast_in_dim3A_586 : vector<8x1xi32> to vector<8x4096xi32>
    %select_n3A_588 = arith.select %lt3A_582, %broadcast_in_dim3A_587, %select_n3A_573 : vector<8x4096xi1>, vector<8x4096xi32>
    %select_n3A_589 = arith.select %lt3A_582, %add3A_581, %select_n3A_574 : vector<8x4096xi1>, vector<8x4096xf32>
    %slice3A_590 = vector.extract_strided_slice %dot_general3A_14 {offsets = [312, 0], sizes = [8, 4096], strides = [1, 1]} : vector<512x4096xf32> to vector<8x4096xf32>
    %add3A_591 = vector.broadcast %broadcast_in_dim3A : vector<1x4096xf32> to vector<8x4096xf32>
    %add3A_592 = arith.addf %add3A_591, %slice3A_590 : vector<8x4096xf32>
    %slice3A_593 = vector.extract_strided_slice %reduce_sum3A_10 {offsets = [312], sizes = [8], strides = [1]} : vector<512xf32> to vector<8xf32>
    %broadcast_in_dim3A_594 = vector.shape_cast %slice3A_593 : vector<8xf32> to vector<8x1xf32>
    %add3A_595 = vector.broadcast %broadcast_in_dim3A_594 : vector<8x1xf32> to vector<8x4096xf32>
    %add3A_596 = arith.addf %add3A_592, %add3A_595 : vector<8x4096xf32>
    %lt3A_597 = arith.cmpf olt, %add3A_596, %select_n3A_589 : vector<8x4096xf32>
    %add3A_598 = arith.constant 312 : i32
    %add3A_599 = vector.broadcast %add3A_598 : i32 to vector<8x1xi32>
    %add3A_600 = arith.addi %add3A_599, %iota3A : vector<8x1xi32>
    %broadcast_in_dim3A_601 = vector.shape_cast %add3A_600 : vector<8x1xi32> to vector<8x1xi32>
    %broadcast_in_dim3A_602 = vector.broadcast %broadcast_in_dim3A_601 : vector<8x1xi32> to vector<8x4096xi32>
    %select_n3A_603 = arith.select %lt3A_597, %broadcast_in_dim3A_602, %select_n3A_588 : vector<8x4096xi1>, vector<8x4096xi32>
    %select_n3A_604 = arith.select %lt3A_597, %add3A_596, %select_n3A_589 : vector<8x4096xi1>, vector<8x4096xf32>
    %slice3A_605 = vector.extract_strided_slice %dot_general3A_14 {offsets = [320, 0], sizes = [8, 4096], strides = [1, 1]} : vector<512x4096xf32> to vector<8x4096xf32>
    %add3A_606 = vector.broadcast %broadcast_in_dim3A : vector<1x4096xf32> to vector<8x4096xf32>
    %add3A_607 = arith.addf %add3A_606, %slice3A_605 : vector<8x4096xf32>
    %slice3A_608 = vector.extract_strided_slice %reduce_sum3A_10 {offsets = [320], sizes = [8], strides = [1]} : vector<512xf32> to vector<8xf32>
    %broadcast_in_dim3A_609 = vector.shape_cast %slice3A_608 : vector<8xf32> to vector<8x1xf32>
    %add3A_610 = vector.broadcast %broadcast_in_dim3A_609 : vector<8x1xf32> to vector<8x4096xf32>
    %add3A_611 = arith.addf %add3A_607, %add3A_610 : vector<8x4096xf32>
    %lt3A_612 = arith.cmpf olt, %add3A_611, %select_n3A_604 : vector<8x4096xf32>
    %add3A_613 = arith.constant 320 : i32
    %add3A_614 = vector.broadcast %add3A_613 : i32 to vector<8x1xi32>
    %add3A_615 = arith.addi %add3A_614, %iota3A : vector<8x1xi32>
    %broadcast_in_dim3A_616 = vector.shape_cast %add3A_615 : vector<8x1xi32> to vector<8x1xi32>
    %broadcast_in_dim3A_617 = vector.broadcast %broadcast_in_dim3A_616 : vector<8x1xi32> to vector<8x4096xi32>
    %select_n3A_618 = arith.select %lt3A_612, %broadcast_in_dim3A_617, %select_n3A_603 : vector<8x4096xi1>, vector<8x4096xi32>
    %select_n3A_619 = arith.select %lt3A_612, %add3A_611, %select_n3A_604 : vector<8x4096xi1>, vector<8x4096xf32>
    %slice3A_620 = vector.extract_strided_slice %dot_general3A_14 {offsets = [328, 0], sizes = [8, 4096], strides = [1, 1]} : vector<512x4096xf32> to vector<8x4096xf32>
    %add3A_621 = vector.broadcast %broadcast_in_dim3A : vector<1x4096xf32> to vector<8x4096xf32>
    %add3A_622 = arith.addf %add3A_621, %slice3A_620 : vector<8x4096xf32>
    %slice3A_623 = vector.extract_strided_slice %reduce_sum3A_10 {offsets = [328], sizes = [8], strides = [1]} : vector<512xf32> to vector<8xf32>
    %broadcast_in_dim3A_624 = vector.shape_cast %slice3A_623 : vector<8xf32> to vector<8x1xf32>
    %add3A_625 = vector.broadcast %broadcast_in_dim3A_624 : vector<8x1xf32> to vector<8x4096xf32>
    %add3A_626 = arith.addf %add3A_622, %add3A_625 : vector<8x4096xf32>
    %lt3A_627 = arith.cmpf olt, %add3A_626, %select_n3A_619 : vector<8x4096xf32>
    %add3A_628 = arith.constant 328 : i32
    %add3A_629 = vector.broadcast %add3A_628 : i32 to vector<8x1xi32>
    %add3A_630 = arith.addi %add3A_629, %iota3A : vector<8x1xi32>
    %broadcast_in_dim3A_631 = vector.shape_cast %add3A_630 : vector<8x1xi32> to vector<8x1xi32>
    %broadcast_in_dim3A_632 = vector.broadcast %broadcast_in_dim3A_631 : vector<8x1xi32> to vector<8x4096xi32>
    %select_n3A_633 = arith.select %lt3A_627, %broadcast_in_dim3A_632, %select_n3A_618 : vector<8x4096xi1>, vector<8x4096xi32>
    %select_n3A_634 = arith.select %lt3A_627, %add3A_626, %select_n3A_619 : vector<8x4096xi1>, vector<8x4096xf32>
    %slice3A_635 = vector.extract_strided_slice %dot_general3A_14 {offsets = [336, 0], sizes = [8, 4096], strides = [1, 1]} : vector<512x4096xf32> to vector<8x4096xf32>
    %add3A_636 = vector.broadcast %broadcast_in_dim3A : vector<1x4096xf32> to vector<8x4096xf32>
    %add3A_637 = arith.addf %add3A_636, %slice3A_635 : vector<8x4096xf32>
    %slice3A_638 = vector.extract_strided_slice %reduce_sum3A_10 {offsets = [336], sizes = [8], strides = [1]} : vector<512xf32> to vector<8xf32>
    %broadcast_in_dim3A_639 = vector.shape_cast %slice3A_638 : vector<8xf32> to vector<8x1xf32>
    %add3A_640 = vector.broadcast %broadcast_in_dim3A_639 : vector<8x1xf32> to vector<8x4096xf32>
    %add3A_641 = arith.addf %add3A_637, %add3A_640 : vector<8x4096xf32>
    %lt3A_642 = arith.cmpf olt, %add3A_641, %select_n3A_634 : vector<8x4096xf32>
    %add3A_643 = arith.constant 336 : i32
    %add3A_644 = vector.broadcast %add3A_643 : i32 to vector<8x1xi32>
    %add3A_645 = arith.addi %add3A_644, %iota3A : vector<8x1xi32>
    %broadcast_in_dim3A_646 = vector.shape_cast %add3A_645 : vector<8x1xi32> to vector<8x1xi32>
    %broadcast_in_dim3A_647 = vector.broadcast %broadcast_in_dim3A_646 : vector<8x1xi32> to vector<8x4096xi32>
    %select_n3A_648 = arith.select %lt3A_642, %broadcast_in_dim3A_647, %select_n3A_633 : vector<8x4096xi1>, vector<8x4096xi32>
    %select_n3A_649 = arith.select %lt3A_642, %add3A_641, %select_n3A_634 : vector<8x4096xi1>, vector<8x4096xf32>
    %slice3A_650 = vector.extract_strided_slice %dot_general3A_14 {offsets = [344, 0], sizes = [8, 4096], strides = [1, 1]} : vector<512x4096xf32> to vector<8x4096xf32>
    %add3A_651 = vector.broadcast %broadcast_in_dim3A : vector<1x4096xf32> to vector<8x4096xf32>
    %add3A_652 = arith.addf %add3A_651, %slice3A_650 : vector<8x4096xf32>
    %slice3A_653 = vector.extract_strided_slice %reduce_sum3A_10 {offsets = [344], sizes = [8], strides = [1]} : vector<512xf32> to vector<8xf32>
    %broadcast_in_dim3A_654 = vector.shape_cast %slice3A_653 : vector<8xf32> to vector<8x1xf32>
    %add3A_655 = vector.broadcast %broadcast_in_dim3A_654 : vector<8x1xf32> to vector<8x4096xf32>
    %add3A_656 = arith.addf %add3A_652, %add3A_655 : vector<8x4096xf32>
    %lt3A_657 = arith.cmpf olt, %add3A_656, %select_n3A_649 : vector<8x4096xf32>
    %add3A_658 = arith.constant 344 : i32
    %add3A_659 = vector.broadcast %add3A_658 : i32 to vector<8x1xi32>
    %add3A_660 = arith.addi %add3A_659, %iota3A : vector<8x1xi32>
    %broadcast_in_dim3A_661 = vector.shape_cast %add3A_660 : vector<8x1xi32> to vector<8x1xi32>
    %broadcast_in_dim3A_662 = vector.broadcast %broadcast_in_dim3A_661 : vector<8x1xi32> to vector<8x4096xi32>
    %select_n3A_663 = arith.select %lt3A_657, %broadcast_in_dim3A_662, %select_n3A_648 : vector<8x4096xi1>, vector<8x4096xi32>
    %select_n3A_664 = arith.select %lt3A_657, %add3A_656, %select_n3A_649 : vector<8x4096xi1>, vector<8x4096xf32>
    %slice3A_665 = vector.extract_strided_slice %dot_general3A_14 {offsets = [352, 0], sizes = [8, 4096], strides = [1, 1]} : vector<512x4096xf32> to vector<8x4096xf32>
    %add3A_666 = vector.broadcast %broadcast_in_dim3A : vector<1x4096xf32> to vector<8x4096xf32>
    %add3A_667 = arith.addf %add3A_666, %slice3A_665 : vector<8x4096xf32>
    %slice3A_668 = vector.extract_strided_slice %reduce_sum3A_10 {offsets = [352], sizes = [8], strides = [1]} : vector<512xf32> to vector<8xf32>
    %broadcast_in_dim3A_669 = vector.shape_cast %slice3A_668 : vector<8xf32> to vector<8x1xf32>
    %add3A_670 = vector.broadcast %broadcast_in_dim3A_669 : vector<8x1xf32> to vector<8x4096xf32>
    %add3A_671 = arith.addf %add3A_667, %add3A_670 : vector<8x4096xf32>
    %lt3A_672 = arith.cmpf olt, %add3A_671, %select_n3A_664 : vector<8x4096xf32>
    %add3A_673 = arith.constant 352 : i32
    %add3A_674 = vector.broadcast %add3A_673 : i32 to vector<8x1xi32>
    %add3A_675 = arith.addi %add3A_674, %iota3A : vector<8x1xi32>
    %broadcast_in_dim3A_676 = vector.shape_cast %add3A_675 : vector<8x1xi32> to vector<8x1xi32>
    %broadcast_in_dim3A_677 = vector.broadcast %broadcast_in_dim3A_676 : vector<8x1xi32> to vector<8x4096xi32>
    %select_n3A_678 = arith.select %lt3A_672, %broadcast_in_dim3A_677, %select_n3A_663 : vector<8x4096xi1>, vector<8x4096xi32>
    %select_n3A_679 = arith.select %lt3A_672, %add3A_671, %select_n3A_664 : vector<8x4096xi1>, vector<8x4096xf32>
    %slice3A_680 = vector.extract_strided_slice %dot_general3A_14 {offsets = [360, 0], sizes = [8, 4096], strides = [1, 1]} : vector<512x4096xf32> to vector<8x4096xf32>
    %add3A_681 = vector.broadcast %broadcast_in_dim3A : vector<1x4096xf32> to vector<8x4096xf32>
    %add3A_682 = arith.addf %add3A_681, %slice3A_680 : vector<8x4096xf32>
    %slice3A_683 = vector.extract_strided_slice %reduce_sum3A_10 {offsets = [360], sizes = [8], strides = [1]} : vector<512xf32> to vector<8xf32>
    %broadcast_in_dim3A_684 = vector.shape_cast %slice3A_683 : vector<8xf32> to vector<8x1xf32>
    %add3A_685 = vector.broadcast %broadcast_in_dim3A_684 : vector<8x1xf32> to vector<8x4096xf32>
    %add3A_686 = arith.addf %add3A_682, %add3A_685 : vector<8x4096xf32>
    %lt3A_687 = arith.cmpf olt, %add3A_686, %select_n3A_679 : vector<8x4096xf32>
    %add3A_688 = arith.constant 360 : i32
    %add3A_689 = vector.broadcast %add3A_688 : i32 to vector<8x1xi32>
    %add3A_690 = arith.addi %add3A_689, %iota3A : vector<8x1xi32>
    %broadcast_in_dim3A_691 = vector.shape_cast %add3A_690 : vector<8x1xi32> to vector<8x1xi32>
    %broadcast_in_dim3A_692 = vector.broadcast %broadcast_in_dim3A_691 : vector<8x1xi32> to vector<8x4096xi32>
    %select_n3A_693 = arith.select %lt3A_687, %broadcast_in_dim3A_692, %select_n3A_678 : vector<8x4096xi1>, vector<8x4096xi32>
    %select_n3A_694 = arith.select %lt3A_687, %add3A_686, %select_n3A_679 : vector<8x4096xi1>, vector<8x4096xf32>
    %slice3A_695 = vector.extract_strided_slice %dot_general3A_14 {offsets = [368, 0], sizes = [8, 4096], strides = [1, 1]} : vector<512x4096xf32> to vector<8x4096xf32>
    %add3A_696 = vector.broadcast %broadcast_in_dim3A : vector<1x4096xf32> to vector<8x4096xf32>
    %add3A_697 = arith.addf %add3A_696, %slice3A_695 : vector<8x4096xf32>
    %slice3A_698 = vector.extract_strided_slice %reduce_sum3A_10 {offsets = [368], sizes = [8], strides = [1]} : vector<512xf32> to vector<8xf32>
    %broadcast_in_dim3A_699 = vector.shape_cast %slice3A_698 : vector<8xf32> to vector<8x1xf32>
    %add3A_700 = vector.broadcast %broadcast_in_dim3A_699 : vector<8x1xf32> to vector<8x4096xf32>
    %add3A_701 = arith.addf %add3A_697, %add3A_700 : vector<8x4096xf32>
    %lt3A_702 = arith.cmpf olt, %add3A_701, %select_n3A_694 : vector<8x4096xf32>
    %add3A_703 = arith.constant 368 : i32
    %add3A_704 = vector.broadcast %add3A_703 : i32 to vector<8x1xi32>
    %add3A_705 = arith.addi %add3A_704, %iota3A : vector<8x1xi32>
    %broadcast_in_dim3A_706 = vector.shape_cast %add3A_705 : vector<8x1xi32> to vector<8x1xi32>
    %broadcast_in_dim3A_707 = vector.broadcast %broadcast_in_dim3A_706 : vector<8x1xi32> to vector<8x4096xi32>
    %select_n3A_708 = arith.select %lt3A_702, %broadcast_in_dim3A_707, %select_n3A_693 : vector<8x4096xi1>, vector<8x4096xi32>
    %select_n3A_709 = arith.select %lt3A_702, %add3A_701, %select_n3A_694 : vector<8x4096xi1>, vector<8x4096xf32>
    %slice3A_710 = vector.extract_strided_slice %dot_general3A_14 {offsets = [376, 0], sizes = [8, 4096], strides = [1, 1]} : vector<512x4096xf32> to vector<8x4096xf32>
    %add3A_711 = vector.broadcast %broadcast_in_dim3A : vector<1x4096xf32> to vector<8x4096xf32>
    %add3A_712 = arith.addf %add3A_711, %slice3A_710 : vector<8x4096xf32>
    %slice3A_713 = vector.extract_strided_slice %reduce_sum3A_10 {offsets = [376], sizes = [8], strides = [1]} : vector<512xf32> to vector<8xf32>
    %broadcast_in_dim3A_714 = vector.shape_cast %slice3A_713 : vector<8xf32> to vector<8x1xf32>
    %add3A_715 = vector.broadcast %broadcast_in_dim3A_714 : vector<8x1xf32> to vector<8x4096xf32>
    %add3A_716 = arith.addf %add3A_712, %add3A_715 : vector<8x4096xf32>
    %lt3A_717 = arith.cmpf olt, %add3A_716, %select_n3A_709 : vector<8x4096xf32>
    %add3A_718 = arith.constant 376 : i32
    %add3A_719 = vector.broadcast %add3A_718 : i32 to vector<8x1xi32>
    %add3A_720 = arith.addi %add3A_719, %iota3A : vector<8x1xi32>
    %broadcast_in_dim3A_721 = vector.shape_cast %add3A_720 : vector<8x1xi32> to vector<8x1xi32>
    %broadcast_in_dim3A_722 = vector.broadcast %broadcast_in_dim3A_721 : vector<8x1xi32> to vector<8x4096xi32>
    %select_n3A_723 = arith.select %lt3A_717, %broadcast_in_dim3A_722, %select_n3A_708 : vector<8x4096xi1>, vector<8x4096xi32>
    %select_n3A_724 = arith.select %lt3A_717, %add3A_716, %select_n3A_709 : vector<8x4096xi1>, vector<8x4096xf32>
    %slice3A_725 = vector.extract_strided_slice %dot_general3A_14 {offsets = [384, 0], sizes = [8, 4096], strides = [1, 1]} : vector<512x4096xf32> to vector<8x4096xf32>
    %add3A_726 = vector.broadcast %broadcast_in_dim3A : vector<1x4096xf32> to vector<8x4096xf32>
    %add3A_727 = arith.addf %add3A_726, %slice3A_725 : vector<8x4096xf32>
    %slice3A_728 = vector.extract_strided_slice %reduce_sum3A_10 {offsets = [384], sizes = [8], strides = [1]} : vector<512xf32> to vector<8xf32>
    %broadcast_in_dim3A_729 = vector.shape_cast %slice3A_728 : vector<8xf32> to vector<8x1xf32>
    %add3A_730 = vector.broadcast %broadcast_in_dim3A_729 : vector<8x1xf32> to vector<8x4096xf32>
    %add3A_731 = arith.addf %add3A_727, %add3A_730 : vector<8x4096xf32>
    %lt3A_732 = arith.cmpf olt, %add3A_731, %select_n3A_724 : vector<8x4096xf32>
    %add3A_733 = arith.constant 384 : i32
    %add3A_734 = vector.broadcast %add3A_733 : i32 to vector<8x1xi32>
    %add3A_735 = arith.addi %add3A_734, %iota3A : vector<8x1xi32>
    %broadcast_in_dim3A_736 = vector.shape_cast %add3A_735 : vector<8x1xi32> to vector<8x1xi32>
    %broadcast_in_dim3A_737 = vector.broadcast %broadcast_in_dim3A_736 : vector<8x1xi32> to vector<8x4096xi32>
    %select_n3A_738 = arith.select %lt3A_732, %broadcast_in_dim3A_737, %select_n3A_723 : vector<8x4096xi1>, vector<8x4096xi32>
    %select_n3A_739 = arith.select %lt3A_732, %add3A_731, %select_n3A_724 : vector<8x4096xi1>, vector<8x4096xf32>
    %slice3A_740 = vector.extract_strided_slice %dot_general3A_14 {offsets = [392, 0], sizes = [8, 4096], strides = [1, 1]} : vector<512x4096xf32> to vector<8x4096xf32>
    %add3A_741 = vector.broadcast %broadcast_in_dim3A : vector<1x4096xf32> to vector<8x4096xf32>
    %add3A_742 = arith.addf %add3A_741, %slice3A_740 : vector<8x4096xf32>
    %slice3A_743 = vector.extract_strided_slice %reduce_sum3A_10 {offsets = [392], sizes = [8], strides = [1]} : vector<512xf32> to vector<8xf32>
    %broadcast_in_dim3A_744 = vector.shape_cast %slice3A_743 : vector<8xf32> to vector<8x1xf32>
    %add3A_745 = vector.broadcast %broadcast_in_dim3A_744 : vector<8x1xf32> to vector<8x4096xf32>
    %add3A_746 = arith.addf %add3A_742, %add3A_745 : vector<8x4096xf32>
    %lt3A_747 = arith.cmpf olt, %add3A_746, %select_n3A_739 : vector<8x4096xf32>
    %add3A_748 = arith.constant 392 : i32
    %add3A_749 = vector.broadcast %add3A_748 : i32 to vector<8x1xi32>
    %add3A_750 = arith.addi %add3A_749, %iota3A : vector<8x1xi32>
    %broadcast_in_dim3A_751 = vector.shape_cast %add3A_750 : vector<8x1xi32> to vector<8x1xi32>
    %broadcast_in_dim3A_752 = vector.broadcast %broadcast_in_dim3A_751 : vector<8x1xi32> to vector<8x4096xi32>
    %select_n3A_753 = arith.select %lt3A_747, %broadcast_in_dim3A_752, %select_n3A_738 : vector<8x4096xi1>, vector<8x4096xi32>
    %select_n3A_754 = arith.select %lt3A_747, %add3A_746, %select_n3A_739 : vector<8x4096xi1>, vector<8x4096xf32>
    %slice3A_755 = vector.extract_strided_slice %dot_general3A_14 {offsets = [400, 0], sizes = [8, 4096], strides = [1, 1]} : vector<512x4096xf32> to vector<8x4096xf32>
    %add3A_756 = vector.broadcast %broadcast_in_dim3A : vector<1x4096xf32> to vector<8x4096xf32>
    %add3A_757 = arith.addf %add3A_756, %slice3A_755 : vector<8x4096xf32>
    %slice3A_758 = vector.extract_strided_slice %reduce_sum3A_10 {offsets = [400], sizes = [8], strides = [1]} : vector<512xf32> to vector<8xf32>
    %broadcast_in_dim3A_759 = vector.shape_cast %slice3A_758 : vector<8xf32> to vector<8x1xf32>
    %add3A_760 = vector.broadcast %broadcast_in_dim3A_759 : vector<8x1xf32> to vector<8x4096xf32>
    %add3A_761 = arith.addf %add3A_757, %add3A_760 : vector<8x4096xf32>
    %lt3A_762 = arith.cmpf olt, %add3A_761, %select_n3A_754 : vector<8x4096xf32>
    %add3A_763 = arith.constant 400 : i32
    %add3A_764 = vector.broadcast %add3A_763 : i32 to vector<8x1xi32>
    %add3A_765 = arith.addi %add3A_764, %iota3A : vector<8x1xi32>
    %broadcast_in_dim3A_766 = vector.shape_cast %add3A_765 : vector<8x1xi32> to vector<8x1xi32>
    %broadcast_in_dim3A_767 = vector.broadcast %broadcast_in_dim3A_766 : vector<8x1xi32> to vector<8x4096xi32>
    %select_n3A_768 = arith.select %lt3A_762, %broadcast_in_dim3A_767, %select_n3A_753 : vector<8x4096xi1>, vector<8x4096xi32>
    %select_n3A_769 = arith.select %lt3A_762, %add3A_761, %select_n3A_754 : vector<8x4096xi1>, vector<8x4096xf32>
    %slice3A_770 = vector.extract_strided_slice %dot_general3A_14 {offsets = [408, 0], sizes = [8, 4096], strides = [1, 1]} : vector<512x4096xf32> to vector<8x4096xf32>
    %add3A_771 = vector.broadcast %broadcast_in_dim3A : vector<1x4096xf32> to vector<8x4096xf32>
    %add3A_772 = arith.addf %add3A_771, %slice3A_770 : vector<8x4096xf32>
    %slice3A_773 = vector.extract_strided_slice %reduce_sum3A_10 {offsets = [408], sizes = [8], strides = [1]} : vector<512xf32> to vector<8xf32>
    %broadcast_in_dim3A_774 = vector.shape_cast %slice3A_773 : vector<8xf32> to vector<8x1xf32>
    %add3A_775 = vector.broadcast %broadcast_in_dim3A_774 : vector<8x1xf32> to vector<8x4096xf32>
    %add3A_776 = arith.addf %add3A_772, %add3A_775 : vector<8x4096xf32>
    %lt3A_777 = arith.cmpf olt, %add3A_776, %select_n3A_769 : vector<8x4096xf32>
    %add3A_778 = arith.constant 408 : i32
    %add3A_779 = vector.broadcast %add3A_778 : i32 to vector<8x1xi32>
    %add3A_780 = arith.addi %add3A_779, %iota3A : vector<8x1xi32>
    %broadcast_in_dim3A_781 = vector.shape_cast %add3A_780 : vector<8x1xi32> to vector<8x1xi32>
    %broadcast_in_dim3A_782 = vector.broadcast %broadcast_in_dim3A_781 : vector<8x1xi32> to vector<8x4096xi32>
    %select_n3A_783 = arith.select %lt3A_777, %broadcast_in_dim3A_782, %select_n3A_768 : vector<8x4096xi1>, vector<8x4096xi32>
    %select_n3A_784 = arith.select %lt3A_777, %add3A_776, %select_n3A_769 : vector<8x4096xi1>, vector<8x4096xf32>
    %slice3A_785 = vector.extract_strided_slice %dot_general3A_14 {offsets = [416, 0], sizes = [8, 4096], strides = [1, 1]} : vector<512x4096xf32> to vector<8x4096xf32>
    %add3A_786 = vector.broadcast %broadcast_in_dim3A : vector<1x4096xf32> to vector<8x4096xf32>
    %add3A_787 = arith.addf %add3A_786, %slice3A_785 : vector<8x4096xf32>
    %slice3A_788 = vector.extract_strided_slice %reduce_sum3A_10 {offsets = [416], sizes = [8], strides = [1]} : vector<512xf32> to vector<8xf32>
    %broadcast_in_dim3A_789 = vector.shape_cast %slice3A_788 : vector<8xf32> to vector<8x1xf32>
    %add3A_790 = vector.broadcast %broadcast_in_dim3A_789 : vector<8x1xf32> to vector<8x4096xf32>
    %add3A_791 = arith.addf %add3A_787, %add3A_790 : vector<8x4096xf32>
    %lt3A_792 = arith.cmpf olt, %add3A_791, %select_n3A_784 : vector<8x4096xf32>
    %add3A_793 = arith.constant 416 : i32
    %add3A_794 = vector.broadcast %add3A_793 : i32 to vector<8x1xi32>
    %add3A_795 = arith.addi %add3A_794, %iota3A : vector<8x1xi32>
    %broadcast_in_dim3A_796 = vector.shape_cast %add3A_795 : vector<8x1xi32> to vector<8x1xi32>
    %broadcast_in_dim3A_797 = vector.broadcast %broadcast_in_dim3A_796 : vector<8x1xi32> to vector<8x4096xi32>
    %select_n3A_798 = arith.select %lt3A_792, %broadcast_in_dim3A_797, %select_n3A_783 : vector<8x4096xi1>, vector<8x4096xi32>
    %select_n3A_799 = arith.select %lt3A_792, %add3A_791, %select_n3A_784 : vector<8x4096xi1>, vector<8x4096xf32>
    %slice3A_800 = vector.extract_strided_slice %dot_general3A_14 {offsets = [424, 0], sizes = [8, 4096], strides = [1, 1]} : vector<512x4096xf32> to vector<8x4096xf32>
    %add3A_801 = vector.broadcast %broadcast_in_dim3A : vector<1x4096xf32> to vector<8x4096xf32>
    %add3A_802 = arith.addf %add3A_801, %slice3A_800 : vector<8x4096xf32>
    %slice3A_803 = vector.extract_strided_slice %reduce_sum3A_10 {offsets = [424], sizes = [8], strides = [1]} : vector<512xf32> to vector<8xf32>
    %broadcast_in_dim3A_804 = vector.shape_cast %slice3A_803 : vector<8xf32> to vector<8x1xf32>
    %add3A_805 = vector.broadcast %broadcast_in_dim3A_804 : vector<8x1xf32> to vector<8x4096xf32>
    %add3A_806 = arith.addf %add3A_802, %add3A_805 : vector<8x4096xf32>
    %lt3A_807 = arith.cmpf olt, %add3A_806, %select_n3A_799 : vector<8x4096xf32>
    %add3A_808 = arith.constant 424 : i32
    %add3A_809 = vector.broadcast %add3A_808 : i32 to vector<8x1xi32>
    %add3A_810 = arith.addi %add3A_809, %iota3A : vector<8x1xi32>
    %broadcast_in_dim3A_811 = vector.shape_cast %add3A_810 : vector<8x1xi32> to vector<8x1xi32>
    %broadcast_in_dim3A_812 = vector.broadcast %broadcast_in_dim3A_811 : vector<8x1xi32> to vector<8x4096xi32>
    %select_n3A_813 = arith.select %lt3A_807, %broadcast_in_dim3A_812, %select_n3A_798 : vector<8x4096xi1>, vector<8x4096xi32>
    %select_n3A_814 = arith.select %lt3A_807, %add3A_806, %select_n3A_799 : vector<8x4096xi1>, vector<8x4096xf32>
    %slice3A_815 = vector.extract_strided_slice %dot_general3A_14 {offsets = [432, 0], sizes = [8, 4096], strides = [1, 1]} : vector<512x4096xf32> to vector<8x4096xf32>
    %add3A_816 = vector.broadcast %broadcast_in_dim3A : vector<1x4096xf32> to vector<8x4096xf32>
    %add3A_817 = arith.addf %add3A_816, %slice3A_815 : vector<8x4096xf32>
    %slice3A_818 = vector.extract_strided_slice %reduce_sum3A_10 {offsets = [432], sizes = [8], strides = [1]} : vector<512xf32> to vector<8xf32>
    %broadcast_in_dim3A_819 = vector.shape_cast %slice3A_818 : vector<8xf32> to vector<8x1xf32>
    %add3A_820 = vector.broadcast %broadcast_in_dim3A_819 : vector<8x1xf32> to vector<8x4096xf32>
    %add3A_821 = arith.addf %add3A_817, %add3A_820 : vector<8x4096xf32>
    %lt3A_822 = arith.cmpf olt, %add3A_821, %select_n3A_814 : vector<8x4096xf32>
    %add3A_823 = arith.constant 432 : i32
    %add3A_824 = vector.broadcast %add3A_823 : i32 to vector<8x1xi32>
    %add3A_825 = arith.addi %add3A_824, %iota3A : vector<8x1xi32>
    %broadcast_in_dim3A_826 = vector.shape_cast %add3A_825 : vector<8x1xi32> to vector<8x1xi32>
    %broadcast_in_dim3A_827 = vector.broadcast %broadcast_in_dim3A_826 : vector<8x1xi32> to vector<8x4096xi32>
    %select_n3A_828 = arith.select %lt3A_822, %broadcast_in_dim3A_827, %select_n3A_813 : vector<8x4096xi1>, vector<8x4096xi32>
    %select_n3A_829 = arith.select %lt3A_822, %add3A_821, %select_n3A_814 : vector<8x4096xi1>, vector<8x4096xf32>
    %slice3A_830 = vector.extract_strided_slice %dot_general3A_14 {offsets = [440, 0], sizes = [8, 4096], strides = [1, 1]} : vector<512x4096xf32> to vector<8x4096xf32>
    %add3A_831 = vector.broadcast %broadcast_in_dim3A : vector<1x4096xf32> to vector<8x4096xf32>
    %add3A_832 = arith.addf %add3A_831, %slice3A_830 : vector<8x4096xf32>
    %slice3A_833 = vector.extract_strided_slice %reduce_sum3A_10 {offsets = [440], sizes = [8], strides = [1]} : vector<512xf32> to vector<8xf32>
    %broadcast_in_dim3A_834 = vector.shape_cast %slice3A_833 : vector<8xf32> to vector<8x1xf32>
    %add3A_835 = vector.broadcast %broadcast_in_dim3A_834 : vector<8x1xf32> to vector<8x4096xf32>
    %add3A_836 = arith.addf %add3A_832, %add3A_835 : vector<8x4096xf32>
    %lt3A_837 = arith.cmpf olt, %add3A_836, %select_n3A_829 : vector<8x4096xf32>
    %add3A_838 = arith.constant 440 : i32
    %add3A_839 = vector.broadcast %add3A_838 : i32 to vector<8x1xi32>
    %add3A_840 = arith.addi %add3A_839, %iota3A : vector<8x1xi32>
    %broadcast_in_dim3A_841 = vector.shape_cast %add3A_840 : vector<8x1xi32> to vector<8x1xi32>
    %broadcast_in_dim3A_842 = vector.broadcast %broadcast_in_dim3A_841 : vector<8x1xi32> to vector<8x4096xi32>
    %select_n3A_843 = arith.select %lt3A_837, %broadcast_in_dim3A_842, %select_n3A_828 : vector<8x4096xi1>, vector<8x4096xi32>
    %select_n3A_844 = arith.select %lt3A_837, %add3A_836, %select_n3A_829 : vector<8x4096xi1>, vector<8x4096xf32>
    %slice3A_845 = vector.extract_strided_slice %dot_general3A_14 {offsets = [448, 0], sizes = [8, 4096], strides = [1, 1]} : vector<512x4096xf32> to vector<8x4096xf32>
    %add3A_846 = vector.broadcast %broadcast_in_dim3A : vector<1x4096xf32> to vector<8x4096xf32>
    %add3A_847 = arith.addf %add3A_846, %slice3A_845 : vector<8x4096xf32>
    %slice3A_848 = vector.extract_strided_slice %reduce_sum3A_10 {offsets = [448], sizes = [8], strides = [1]} : vector<512xf32> to vector<8xf32>
    %broadcast_in_dim3A_849 = vector.shape_cast %slice3A_848 : vector<8xf32> to vector<8x1xf32>
    %add3A_850 = vector.broadcast %broadcast_in_dim3A_849 : vector<8x1xf32> to vector<8x4096xf32>
    %add3A_851 = arith.addf %add3A_847, %add3A_850 : vector<8x4096xf32>
    %lt3A_852 = arith.cmpf olt, %add3A_851, %select_n3A_844 : vector<8x4096xf32>
    %add3A_853 = arith.constant 448 : i32
    %add3A_854 = vector.broadcast %add3A_853 : i32 to vector<8x1xi32>
    %add3A_855 = arith.addi %add3A_854, %iota3A : vector<8x1xi32>
    %broadcast_in_dim3A_856 = vector.shape_cast %add3A_855 : vector<8x1xi32> to vector<8x1xi32>
    %broadcast_in_dim3A_857 = vector.broadcast %broadcast_in_dim3A_856 : vector<8x1xi32> to vector<8x4096xi32>
    %select_n3A_858 = arith.select %lt3A_852, %broadcast_in_dim3A_857, %select_n3A_843 : vector<8x4096xi1>, vector<8x4096xi32>
    %select_n3A_859 = arith.select %lt3A_852, %add3A_851, %select_n3A_844 : vector<8x4096xi1>, vector<8x4096xf32>
    %slice3A_860 = vector.extract_strided_slice %dot_general3A_14 {offsets = [456, 0], sizes = [8, 4096], strides = [1, 1]} : vector<512x4096xf32> to vector<8x4096xf32>
    %add3A_861 = vector.broadcast %broadcast_in_dim3A : vector<1x4096xf32> to vector<8x4096xf32>
    %add3A_862 = arith.addf %add3A_861, %slice3A_860 : vector<8x4096xf32>
    %slice3A_863 = vector.extract_strided_slice %reduce_sum3A_10 {offsets = [456], sizes = [8], strides = [1]} : vector<512xf32> to vector<8xf32>
    %broadcast_in_dim3A_864 = vector.shape_cast %slice3A_863 : vector<8xf32> to vector<8x1xf32>
    %add3A_865 = vector.broadcast %broadcast_in_dim3A_864 : vector<8x1xf32> to vector<8x4096xf32>
    %add3A_866 = arith.addf %add3A_862, %add3A_865 : vector<8x4096xf32>
    %lt3A_867 = arith.cmpf olt, %add3A_866, %select_n3A_859 : vector<8x4096xf32>
    %add3A_868 = arith.constant 456 : i32
    %add3A_869 = vector.broadcast %add3A_868 : i32 to vector<8x1xi32>
    %add3A_870 = arith.addi %add3A_869, %iota3A : vector<8x1xi32>
    %broadcast_in_dim3A_871 = vector.shape_cast %add3A_870 : vector<8x1xi32> to vector<8x1xi32>
    %broadcast_in_dim3A_872 = vector.broadcast %broadcast_in_dim3A_871 : vector<8x1xi32> to vector<8x4096xi32>
    %select_n3A_873 = arith.select %lt3A_867, %broadcast_in_dim3A_872, %select_n3A_858 : vector<8x4096xi1>, vector<8x4096xi32>
    %select_n3A_874 = arith.select %lt3A_867, %add3A_866, %select_n3A_859 : vector<8x4096xi1>, vector<8x4096xf32>
    %slice3A_875 = vector.extract_strided_slice %dot_general3A_14 {offsets = [464, 0], sizes = [8, 4096], strides = [1, 1]} : vector<512x4096xf32> to vector<8x4096xf32>
    %add3A_876 = vector.broadcast %broadcast_in_dim3A : vector<1x4096xf32> to vector<8x4096xf32>
    %add3A_877 = arith.addf %add3A_876, %slice3A_875 : vector<8x4096xf32>
    %slice3A_878 = vector.extract_strided_slice %reduce_sum3A_10 {offsets = [464], sizes = [8], strides = [1]} : vector<512xf32> to vector<8xf32>
    %broadcast_in_dim3A_879 = vector.shape_cast %slice3A_878 : vector<8xf32> to vector<8x1xf32>
    %add3A_880 = vector.broadcast %broadcast_in_dim3A_879 : vector<8x1xf32> to vector<8x4096xf32>
    %add3A_881 = arith.addf %add3A_877, %add3A_880 : vector<8x4096xf32>
    %lt3A_882 = arith.cmpf olt, %add3A_881, %select_n3A_874 : vector<8x4096xf32>
    %add3A_883 = arith.constant 464 : i32
    %add3A_884 = vector.broadcast %add3A_883 : i32 to vector<8x1xi32>
    %add3A_885 = arith.addi %add3A_884, %iota3A : vector<8x1xi32>
    %broadcast_in_dim3A_886 = vector.shape_cast %add3A_885 : vector<8x1xi32> to vector<8x1xi32>
    %broadcast_in_dim3A_887 = vector.broadcast %broadcast_in_dim3A_886 : vector<8x1xi32> to vector<8x4096xi32>
    %select_n3A_888 = arith.select %lt3A_882, %broadcast_in_dim3A_887, %select_n3A_873 : vector<8x4096xi1>, vector<8x4096xi32>
    %select_n3A_889 = arith.select %lt3A_882, %add3A_881, %select_n3A_874 : vector<8x4096xi1>, vector<8x4096xf32>
    %slice3A_890 = vector.extract_strided_slice %dot_general3A_14 {offsets = [472, 0], sizes = [8, 4096], strides = [1, 1]} : vector<512x4096xf32> to vector<8x4096xf32>
    %add3A_891 = vector.broadcast %broadcast_in_dim3A : vector<1x4096xf32> to vector<8x4096xf32>
    %add3A_892 = arith.addf %add3A_891, %slice3A_890 : vector<8x4096xf32>
    %slice3A_893 = vector.extract_strided_slice %reduce_sum3A_10 {offsets = [472], sizes = [8], strides = [1]} : vector<512xf32> to vector<8xf32>
    %broadcast_in_dim3A_894 = vector.shape_cast %slice3A_893 : vector<8xf32> to vector<8x1xf32>
    %add3A_895 = vector.broadcast %broadcast_in_dim3A_894 : vector<8x1xf32> to vector<8x4096xf32>
    %add3A_896 = arith.addf %add3A_892, %add3A_895 : vector<8x4096xf32>
    %lt3A_897 = arith.cmpf olt, %add3A_896, %select_n3A_889 : vector<8x4096xf32>
    %add3A_898 = arith.constant 472 : i32
    %add3A_899 = vector.broadcast %add3A_898 : i32 to vector<8x1xi32>
    %add3A_900 = arith.addi %add3A_899, %iota3A : vector<8x1xi32>
    %broadcast_in_dim3A_901 = vector.shape_cast %add3A_900 : vector<8x1xi32> to vector<8x1xi32>
    %broadcast_in_dim3A_902 = vector.broadcast %broadcast_in_dim3A_901 : vector<8x1xi32> to vector<8x4096xi32>
    %select_n3A_903 = arith.select %lt3A_897, %broadcast_in_dim3A_902, %select_n3A_888 : vector<8x4096xi1>, vector<8x4096xi32>
    %select_n3A_904 = arith.select %lt3A_897, %add3A_896, %select_n3A_889 : vector<8x4096xi1>, vector<8x4096xf32>
    %slice3A_905 = vector.extract_strided_slice %dot_general3A_14 {offsets = [480, 0], sizes = [8, 4096], strides = [1, 1]} : vector<512x4096xf32> to vector<8x4096xf32>
    %add3A_906 = vector.broadcast %broadcast_in_dim3A : vector<1x4096xf32> to vector<8x4096xf32>
    %add3A_907 = arith.addf %add3A_906, %slice3A_905 : vector<8x4096xf32>
    %slice3A_908 = vector.extract_strided_slice %reduce_sum3A_10 {offsets = [480], sizes = [8], strides = [1]} : vector<512xf32> to vector<8xf32>
    %broadcast_in_dim3A_909 = vector.shape_cast %slice3A_908 : vector<8xf32> to vector<8x1xf32>
    %add3A_910 = vector.broadcast %broadcast_in_dim3A_909 : vector<8x1xf32> to vector<8x4096xf32>
    %add3A_911 = arith.addf %add3A_907, %add3A_910 : vector<8x4096xf32>
    %lt3A_912 = arith.cmpf olt, %add3A_911, %select_n3A_904 : vector<8x4096xf32>
    %add3A_913 = arith.constant 480 : i32
    %add3A_914 = vector.broadcast %add3A_913 : i32 to vector<8x1xi32>
    %add3A_915 = arith.addi %add3A_914, %iota3A : vector<8x1xi32>
    %broadcast_in_dim3A_916 = vector.shape_cast %add3A_915 : vector<8x1xi32> to vector<8x1xi32>
    %broadcast_in_dim3A_917 = vector.broadcast %broadcast_in_dim3A_916 : vector<8x1xi32> to vector<8x4096xi32>
    %select_n3A_918 = arith.select %lt3A_912, %broadcast_in_dim3A_917, %select_n3A_903 : vector<8x4096xi1>, vector<8x4096xi32>
    %select_n3A_919 = arith.select %lt3A_912, %add3A_911, %select_n3A_904 : vector<8x4096xi1>, vector<8x4096xf32>
    %slice3A_920 = vector.extract_strided_slice %dot_general3A_14 {offsets = [488, 0], sizes = [8, 4096], strides = [1, 1]} : vector<512x4096xf32> to vector<8x4096xf32>
    %add3A_921 = vector.broadcast %broadcast_in_dim3A : vector<1x4096xf32> to vector<8x4096xf32>
    %add3A_922 = arith.addf %add3A_921, %slice3A_920 : vector<8x4096xf32>
    %slice3A_923 = vector.extract_strided_slice %reduce_sum3A_10 {offsets = [488], sizes = [8], strides = [1]} : vector<512xf32> to vector<8xf32>
    %broadcast_in_dim3A_924 = vector.shape_cast %slice3A_923 : vector<8xf32> to vector<8x1xf32>
    %add3A_925 = vector.broadcast %broadcast_in_dim3A_924 : vector<8x1xf32> to vector<8x4096xf32>
    %add3A_926 = arith.addf %add3A_922, %add3A_925 : vector<8x4096xf32>
    %lt3A_927 = arith.cmpf olt, %add3A_926, %select_n3A_919 : vector<8x4096xf32>
    %add3A_928 = arith.constant 488 : i32
    %add3A_929 = vector.broadcast %add3A_928 : i32 to vector<8x1xi32>
    %add3A_930 = arith.addi %add3A_929, %iota3A : vector<8x1xi32>
    %broadcast_in_dim3A_931 = vector.shape_cast %add3A_930 : vector<8x1xi32> to vector<8x1xi32>
    %broadcast_in_dim3A_932 = vector.broadcast %broadcast_in_dim3A_931 : vector<8x1xi32> to vector<8x4096xi32>
    %select_n3A_933 = arith.select %lt3A_927, %broadcast_in_dim3A_932, %select_n3A_918 : vector<8x4096xi1>, vector<8x4096xi32>
    %select_n3A_934 = arith.select %lt3A_927, %add3A_926, %select_n3A_919 : vector<8x4096xi1>, vector<8x4096xf32>
    %slice3A_935 = vector.extract_strided_slice %dot_general3A_14 {offsets = [496, 0], sizes = [8, 4096], strides = [1, 1]} : vector<512x4096xf32> to vector<8x4096xf32>
    %add3A_936 = vector.broadcast %broadcast_in_dim3A : vector<1x4096xf32> to vector<8x4096xf32>
    %add3A_937 = arith.addf %add3A_936, %slice3A_935 : vector<8x4096xf32>
    %slice3A_938 = vector.extract_strided_slice %reduce_sum3A_10 {offsets = [496], sizes = [8], strides = [1]} : vector<512xf32> to vector<8xf32>
    %broadcast_in_dim3A_939 = vector.shape_cast %slice3A_938 : vector<8xf32> to vector<8x1xf32>
    %add3A_940 = vector.broadcast %broadcast_in_dim3A_939 : vector<8x1xf32> to vector<8x4096xf32>
    %add3A_941 = arith.addf %add3A_937, %add3A_940 : vector<8x4096xf32>
    %lt3A_942 = arith.cmpf olt, %add3A_941, %select_n3A_934 : vector<8x4096xf32>
    %add3A_943 = arith.constant 496 : i32
    %add3A_944 = vector.broadcast %add3A_943 : i32 to vector<8x1xi32>
    %add3A_945 = arith.addi %add3A_944, %iota3A : vector<8x1xi32>
    %broadcast_in_dim3A_946 = vector.shape_cast %add3A_945 : vector<8x1xi32> to vector<8x1xi32>
    %broadcast_in_dim3A_947 = vector.broadcast %broadcast_in_dim3A_946 : vector<8x1xi32> to vector<8x4096xi32>
    %select_n3A_948 = arith.select %lt3A_942, %broadcast_in_dim3A_947, %select_n3A_933 : vector<8x4096xi1>, vector<8x4096xi32>
    %select_n3A_949 = arith.select %lt3A_942, %add3A_941, %select_n3A_934 : vector<8x4096xi1>, vector<8x4096xf32>
    %slice3A_950 = vector.extract_strided_slice %dot_general3A_14 {offsets = [504, 0], sizes = [8, 4096], strides = [1, 1]} : vector<512x4096xf32> to vector<8x4096xf32>
    %add3A_951 = vector.broadcast %broadcast_in_dim3A : vector<1x4096xf32> to vector<8x4096xf32>
    %add3A_952 = arith.addf %add3A_951, %slice3A_950 : vector<8x4096xf32>
    %slice3A_953 = vector.extract_strided_slice %reduce_sum3A_10 {offsets = [504], sizes = [8], strides = [1]} : vector<512xf32> to vector<8xf32>
    %broadcast_in_dim3A_954 = vector.shape_cast %slice3A_953 : vector<8xf32> to vector<8x1xf32>
    %add3A_955 = vector.broadcast %broadcast_in_dim3A_954 : vector<8x1xf32> to vector<8x4096xf32>
    %add3A_956 = arith.addf %add3A_952, %add3A_955 : vector<8x4096xf32>
    %lt3A_957 = arith.cmpf olt, %add3A_956, %select_n3A_949 : vector<8x4096xf32>
    %add3A_958 = arith.constant 504 : i32
    %add3A_959 = vector.broadcast %add3A_958 : i32 to vector<8x1xi32>
    %add3A_960 = arith.addi %add3A_959, %iota3A : vector<8x1xi32>
    %broadcast_in_dim3A_961 = vector.shape_cast %add3A_960 : vector<8x1xi32> to vector<8x1xi32>
    %broadcast_in_dim3A_962 = vector.broadcast %broadcast_in_dim3A_961 : vector<8x1xi32> to vector<8x4096xi32>
    %select_n3A_963 = arith.select %lt3A_957, %broadcast_in_dim3A_962, %select_n3A_948 : vector<8x4096xi1>, vector<8x4096xi32>
    %select_n3A_964 = arith.select %lt3A_957, %add3A_956, %select_n3A_949 : vector<8x4096xi1>, vector<8x4096xf32>
    %roll3A = arith.constant 4 : i32
    %roll3A_965 = tpu.dynamic_rotate %select_n3A_964 by %roll3A dim 0 : vector<8x4096xf32>, i32 -> vector<8x4096xf32>
    %roll3A_966 = arith.constant 4 : i32
    %roll3A_967 = tpu.dynamic_rotate %select_n3A_963 by %roll3A_966 dim 0 : vector<8x4096xi32>, i32 -> vector<8x4096xi32>
    %lt3A_968 = arith.cmpf olt, %roll3A_965, %select_n3A_964 : vector<8x4096xf32>
    %eq3A = arith.cmpf oeq, %roll3A_965, %select_n3A_964 : vector<8x4096xf32>
    %lt3A_969 = arith.cmpi slt, %roll3A_967, %select_n3A_963 : vector<8x4096xi32>
    %and3A = arith.andi %eq3A, %lt3A_969 : vector<8x4096xi1>
    %or3A = arith.ori %lt3A_968, %and3A : vector<8x4096xi1>
    %select_n3A_970 = arith.select %or3A, %roll3A_965, %select_n3A_964 : vector<8x4096xi1>, vector<8x4096xf32>
    %select_n3A_971 = arith.select %or3A, %roll3A_967, %select_n3A_963 : vector<8x4096xi1>, vector<8x4096xi32>
    %roll3A_972 = arith.constant 2 : i32
    %roll3A_973 = tpu.dynamic_rotate %select_n3A_970 by %roll3A_972 dim 0 : vector<8x4096xf32>, i32 -> vector<8x4096xf32>
    %roll3A_974 = arith.constant 2 : i32
    %roll3A_975 = tpu.dynamic_rotate %select_n3A_971 by %roll3A_974 dim 0 : vector<8x4096xi32>, i32 -> vector<8x4096xi32>
    %lt3A_976 = arith.cmpf olt, %roll3A_973, %select_n3A_970 : vector<8x4096xf32>
    %eq3A_977 = arith.cmpf oeq, %roll3A_973, %select_n3A_970 : vector<8x4096xf32>
    %lt3A_978 = arith.cmpi slt, %roll3A_975, %select_n3A_971 : vector<8x4096xi32>
    %and3A_979 = arith.andi %eq3A_977, %lt3A_978 : vector<8x4096xi1>
    %or3A_980 = arith.ori %lt3A_976, %and3A_979 : vector<8x4096xi1>
    %select_n3A_981 = arith.select %or3A_980, %roll3A_973, %select_n3A_970 : vector<8x4096xi1>, vector<8x4096xf32>
    %select_n3A_982 = arith.select %or3A_980, %roll3A_975, %select_n3A_971 : vector<8x4096xi1>, vector<8x4096xi32>
    %roll3A_983 = arith.constant 1 : i32
    %roll3A_984 = tpu.dynamic_rotate %select_n3A_981 by %roll3A_983 dim 0 : vector<8x4096xf32>, i32 -> vector<8x4096xf32>
    %roll3A_985 = arith.constant 1 : i32
    %roll3A_986 = tpu.dynamic_rotate %select_n3A_982 by %roll3A_985 dim 0 : vector<8x4096xi32>, i32 -> vector<8x4096xi32>
    %lt3A_987 = arith.cmpf olt, %roll3A_984, %select_n3A_981 : vector<8x4096xf32>
    %eq3A_988 = arith.cmpf oeq, %roll3A_984, %select_n3A_981 : vector<8x4096xf32>
    %lt3A_989 = arith.cmpi slt, %roll3A_986, %select_n3A_982 : vector<8x4096xi32>
    %and3A_990 = arith.andi %eq3A_988, %lt3A_989 : vector<8x4096xi1>
    %or3A_991 = arith.ori %lt3A_987, %and3A_990 : vector<8x4096xi1>
    %select_n3A_992 = arith.select %or3A_991, %roll3A_986, %select_n3A_982 : vector<8x4096xi1>, vector<8x4096xi32>
    %slice3A_993 = vector.extract_strided_slice %select_n3A_992 {offsets = [0, 0], sizes = [1, 4096], strides = [1, 1]} : vector<8x4096xi32> to vector<1x4096xi32>
    %squeeze3A = vector.shape_cast %slice3A_993 : vector<1x4096xi32> to vector<4096xi32>
    %swap3A = arith.constant 0 : index
    %swap3A_994 = arith.constant 0 : index
    %swap3A_995 = arith.constant 0 : index
    %swap3A_996 = arith.constant 0 : index
    %swap3A_997 = vector.load %arg4[%swap3A, %swap3A_994, %swap3A_995, %swap3A_996] : memref<1x1x1x4096xi32, #tpu.memory_space<vmem>>, vector<1x1x1x4096xi32>
    %swap3A_998 = vector.shape_cast %swap3A_997 : vector<1x1x1x4096xi32> to vector<4096xi32>
    %swap3A_999 = vector.shape_cast %squeeze3A : vector<4096xi32> to vector<1x1x1x4096xi32>
    tpu.vector_store %arg4[%swap3A, %swap3A_994, %swap3A_995, %swap3A_996], %swap3A_999 {strides = array<i32>} : memref<1x1x1x4096xi32, #tpu.memory_space<vmem>>, vector<1x1x1x4096xi32>,
    return
  }
  func.func @transform_0(%arg0: i32, %arg1: i32) -> (i32, i32, i32) {
    %c0_i32 = arith.constant 0 : i32
    %c0_i32_0 = arith.constant 0 : i32
    return %arg0, %c0_i32, %arg1 : i32, i32, i32
  }
  func.func @transform_1(%arg0: i32, %arg1: i32) -> (i32, i32) {
    %c0_i32 = arith.constant 0 : i32
    %c0_i32_0 = arith.constant 0 : i32
    %c0_i32_1 = arith.constant 0 : i32
    return %c0_i32, %c0_i32_0 : i32, i32
  }
  func.func @transform_2(%arg0: i32, %arg1: i32) -> (i32, i32, i32, i32) {
    %c0_i32 = arith.constant 0 : i32
    %c0_i32_0 = arith.constant 0 : i32
    %c0_i32_1 = arith.constant 0 : i32
    return %arg0, %arg1, %c0_i32, %c0_i32_0 : i32, i32, i32, i32
  }
}

</mosaic_0001>

<sc_bundles>
// kernel: kernel.4.cloned.1.call-start
scs
__scs_entry_jumppad:
0x0: {  	(pc) =	sbr.rel $0x88, $3  }
0x1: {  	(tag) =	ssettag $0x0;
	lr =	simm.s32 $0x1  }
0x2: {  	[smem:$0x3F9F] =	sst lr;
	_ =	strace $0xD0000000  }
0x3: {  	_ = 	snop  }
0x4: {  	_ = 	snop  }
0x5: {  	_ = 	snop  }
0x6: {  	_ = 	snop  }
0x7: {  	_ = 	snop  }
__scs_overlays_trampoline_lowered:
0x8: {  	[smem:$0x3FAE] =	sst s0  }
0x9: {  	[smem:$0x3FAF] =	sst s1  }
0xa: {  	[smem:$0x3FB0] =	sst s2  }
0xb: {  	[smem:$0x3FB1] =	sst s3  }
0xc: {  	[smem:$0x3FB2] =	sst s4  }
0xd: {  	[smem:$0x3FB3] =	sst s5  }
0xe: {  	[smem:$0x3FB4] =	sst s6  }
0xf: {  	[smem:$0x3FB5] =	sst s7  }
0x10: {  	[smem:$0x3FB6] =	sst s8  }
0x11: {  	[smem:$0x3FB7] =	sst s9;
	s0 =	simm.s32 @!p0 $0x0  }
0x12: {  	s1 =	sld [smem:$0x3F9D];
	s0 =	simm.s32 @p0 $0x1  }
0x13: {  	[smem:$0x3FB8] =	sst s0;
	s0 =	simm.s32 @!p1 $0x0  }
0x14: {  	s2 =	sld [smem:$0x3F9C];
	s0 =	simm.s32 @p1 $0x1  }
0x15: {  	[smem:$0x3FB9] =	sst s0;
	s0 =	simm.s32 @!p2 $0x0  }
0x16: {  	s3 =	sld [smem:$0x3FDB];
	s0 =	simm.s32 @p2 $0x1  }
0x17: {  	s4 =	simm.s32 $0x1BF5;
	[smem:$0x3FBB] =	sst s0  }
0x18: {  	s0 =	sld [smem:$0x3F9E];
	_ =	swait.ge [sflag:s4], $0x0  }
0x19: {  	s7 =	sld [smem:$0x3F9F]  }
0x1a: {  	s8 =	sadd.s32 $0xFFFFE003, lr  }
0x1b: {  	s9 =	sadd.s32 $0xFFFFFEF7, lr;
	s5 =	simm.s32 $0xFFFFFFFF;
	p2 =	slt.u32 s8, $0xFFFFF086  }
0x1c: {  	p1 =	slt.u32 s9, $0xF7A;
	s5 =	simm.s32 @!p2 $0x0  }
0x1d: {  	s5 =	simm.s32 @p1 $0x1;
	p0 =	seq.s32 s7, s2  }
0x1e: {  	s7 =	smul.u32 @!p0 $0xF7A, s2;
	p2 =	seq.s32 @!p0 s5, $0x0  }
0x1f: {  	s9 =	smul.u32 $0xF7A, s1;
	s8 =	simm.s32 @!p0 $0x1BF5;
	p2 =	por !p2, p0  }
0x20: {  	[sflag:s8] =	ssyncset.s32 @!p0 $0xFFFFF086;
	s6 =	sadd.s32 @!p0 s3, s7;
	s7 =	simm.s32 @!p0 $0x108  }
0x21: {  	s3 =	sadd.s32 s3, s9;
	s6 =	sadd.s32 @!p0 $0x88, s6;
	s7 =	simm.s32 @p2 $0x1082  }
0x22: {  	[simem:s7], [sflag:s8] =	dma.local @!p0 [hbm:s6], $0xF7A  }
0x23: {  	s9 =	sor.u32 $0xD0000000, s2;
	s6 =	simm.s32 $0x108;
	_ =	swait.ge @!p0 [sflag:s8], $0x0  }
0x24: {  	s3 =	sadd.s32 $0x88, s3;
	s6 =	simm.s32 @!p1 $0x1082;
	[sflag:s4] =	ssyncset.s32 $0xFFFFF086  }
0x25: {  	[simem:s6], [sflag:s4] =	dma.local [hbm:s3], $0xF7A  }
0x26: {  	[smem:$0x3F9F] =	sst s1;
	(tag) =	ssettag s2;
	_ =	strace s9  }
0x27: {  	s1 =	sld [smem:$0x3FAF]  }
0x28: {  	s2 =	sld [smem:$0x3FB0]  }
0x29: {  	s4 =	sld [smem:$0x3FB2]  }
0x2a: {  	p0 =	seq.s32 s5, $0x0;
	s5 =	sld [smem:$0x3FB3]  }
0x2b: {  	s6 =	sld [smem:$0x3FB4]  }
0x2c: {  	s7 =	sld [smem:$0x3FB5]  }
0x2d: {  	s3 =	simm.s32 $0x108;
	s8 =	sld [smem:$0x3FB6]  }
0x2e: {  	s3 =	simm.s32 @!p0 $0x1082;
	s9 =	sld [smem:$0x3FB7]  }
0x2f: {  	lr =	sadd.s32 s0, s3;
	s0 =	sld [smem:$0x3FAE]  }
0x30: {  	s3 =	sld [smem:$0x3FB1]  }
0x31: {  	[smem:$0x3FBA] =	sst s10  }
0x32: {  	s10 =	sld [smem:$0x3FB8];
	_ =	sdelay $0x3  }
0x33: {  	p0 =	seq.s32 s10, $0x1;
	s10 =	sld [smem:$0x3FBA];
	_ =	sdelay $0x3  }
0x34: {  	[smem:$0x3FBA] =	sst s10  }
0x35: {  	s10 =	sld [smem:$0x3FB9];
	_ =	sdelay $0x3  }
0x36: {  	p1 =	seq.s32 s10, $0x1;
	s10 =	sld [smem:$0x3FBA];
	_ =	sdelay $0x3  }
0x37: {  	[smem:$0x3FBA] =	sst s10  }
0x38: {  	s10 =	sld [smem:$0x3FBB]  }
0x39: {  	_ = 	snop;
	(pc) =	sbr.ind lr, $3  }
0x3a: {  	_ = 	snop  }
0x3b: {  	_ = 	snop  }
0x3c: {  	p2 =	seq.s32 s10, $0x1;
	s10 =	sld [smem:$0x3FBA]  }
0x3d: {  	_ =	shalt  }
0x3e: {  	_ =	shalt  }
0x3f: {  	_ =	shalt  }
0x40: {  	_ =	shalt  }
0x41: {  	_ =	shalt  }
0x42: {  	_ =	shalt  }
0x43: {  	_ =	shalt  }
0x44: {  	_ =	shalt  }
0x45: {  	_ =	shalt  }
0x46: {  	_ =	shalt  }
0x47: {  	_ =	shalt  }
0x48: {  	_ =	shalt  }
0x49: {  	_ =	shalt  }
0x4a: {  	_ =	shalt  }
0x4b: {  	_ =	shalt  }
0x4c: {  	_ =	shalt  }
0x4d: {  	_ =	shalt  }
0x4e: {  	_ =	shalt  }
0x4f: {  	_ =	shalt  }
0x50: {  	_ =	shalt  }
0x51: {  	_ =	shalt  }
0x52: {  	_ =	shalt  }
0x53: {  	_ =	shalt  }
0x54: {  	_ =	shalt  }
0x55: {  	_ =	shalt  }
0x56: {  	_ =	shalt  }
0x57: {  	_ =	shalt  }
0x58: {  	_ =	shalt  }
0x59: {  	_ =	shalt  }
0x5a: {  	_ =	shalt  }
0x5b: {  	_ =	shalt  }
0x5c: {  	_ =	shalt  }
0x5d: {  	_ =	shalt  }
0x5e: {  	_ =	shalt  }
0x5f: {  	_ =	shalt  }
0x60: {  	_ =	shalt  }
0x61: {  	_ =	shalt  }
0x62: {  	_ =	shalt  }
0x63: {  	_ =	shalt  }
0x64: {  	_ =	shalt  }
0x65: {  	_ =	shalt  }
0x66: {  	_ =	shalt  }
0x67: {  	_ =	shalt  }
0x68: {  	_ =	shalt  }
0x69: {  	_ =	shalt  }
0x6a: {  	_ =	shalt  }
0x6b: {  	_ =	shalt  }
0x6c: {  	_ =	shalt  }
0x6d: {  	_ =	shalt  }
0x6e: {  	_ =	shalt  }
0x6f: {  	_ =	shalt  }
0x70: {  	_ =	shalt  }
0x71: {  	_ =	shalt  }
0x72: {  	_ =	shalt  }
0x73: {  	_ =	shalt  }
0x74: {  	_ =	shalt  }
0x75: {  	_ =	shalt  }
0x76: {  	_ =	shalt  }
0x77: {  	_ =	shalt  }
0x78: {  	_ =	shalt  }
0x79: {  	_ =	shalt  }
0x7a: {  	_ =	shalt  }
0x7b: {  	_ =	shalt  }
0x7c: {  	_ =	shalt  }
0x7d: {  	_ =	shalt  }
0x7e: {  	_ =	shalt  }
0x7f: {  	_ =	shalt  }
0x80: {  	_ =	shalt  }
0x81: {  	_ =	shalt  }
0x82: {  	_ =	shalt  }
0x83: {  	_ =	shalt  }
0x84: {  	_ =	shalt  }
0x85: {  	_ =	shalt  }
0x86: {  	_ =	shalt  }
0x87: {  	_ =	shalt  }
.Lfunc_end0:
.L_simem_size_0:
called_computation_lowered:
.L_overlay_start_0:
0x88: {  	s2 =	sld [smem:$0x3FD9]  }
0x89: {  	s3 =	sld [smem:$0x3FFE];
	_ =	sdelay $0x1  }
0x8a: {  	s1 =	srdreg.scid  }
0x8b: {  	s0 =	sand.u32 $0x1, s1  }
0x8c: {  	s14 =	sshll.u32 s0, $0xA;
	s2 =	sadd.s32 s3, s2  }
0x8d: {  	s2 =	sadd.s32 s2, s14  }
0x8e: {  	[smem:$0x3FC6] =	sst s2  }
0x8f: {  	_ = 	snop  }
0x90: {  	s2 =	sld [smem:$0x3FD0];
	_ =	sdelay $0x2  }
0x91: {  	s15 =	simm.s32 $0xA;
	s4 =	simm.s32 $0x10  }
0x92: {  	[smem:s4], [sflag:s15] =	dma.local [hbm:s2], $0x1  }
0x93: {  	_ =	swait.eq [sflag:s15], $0x1  }
0x94: {  	[sflag:s15] =	ssyncset.done $0x0  }
0x95: {  	s16 =	sld [smem:$0x10];
	[sflag:s15] =	ssyncadd.s32 $0xFFFFFFFF  }
0x96: {  	s17 =	sld [smem:$0x11];
	(tm) =	ssettm $0x1  }
0x97: {  	s18 =	sld [smem:$0x3FFB];
	_ =	sdelay $0x3  }
0x98: {  	_ =	strace s18  }
0x99: {  	s4 =	sld [smem:$0x3FFC];
	_ =	sdelay $0x3  }
0x9a: {  	_ =	strace s4  }
0x9b: {  	s4 =	sld [smem:$0x3FFD];
	_ =	sdelay $0x3  }
0x9c: {  	_ =	strace s4  }
0x9d: {  	_ =	strace $0x8FFFFFFF  }
0x9e: {  	s19 =	sld [smem:$0x3FDB];
	_ =	sdelay $0x1  }
0x9f: {  	s5 =	simm.s32 $_scs_section_size  }
0xa0: {  	s6 =	simm.s32 $_size__tile_overlayer_lowered;
	s7 =	simm.s32 $_tile_overlayer_lowered  }
0xa1: {  	s22 =	simm.s32 $0x1BFF;
	s21 =	sshll.u32 s7, $0x1;
	s4 =	sadd.s32 s5, s19  }
0xa2: {  	s8 =	simm.s32 $0x0;
	s20 =	sshll.u32 s6, $0x1;
	s6 =	sadd.s32 s21, s4  }
0xa3: {  	[timem:s8], [sflag:s22] =	dma.local [hbm:s6], s20  }
0xa4: {  	_ =	swait.ge [sflag:s22], s20  }
0xa5: {  	s5 =	ssub.s32 $0x0, s20;
	[sflag:s22] =	ssyncset.done $0x0  }
0xa6: {  	[sflag:s22] =	ssyncadd.s32 s5;
	_ =	sdelay $0x1  }
0xa7: {  	s23 =	simm.s32 $0x1B8B  }
0xa8: {  	_ =	swait.ge [sflag:s23], $0x1  }
0xa9: {  	[sflag:s23] =	ssyncset.done $0x0  }
0xaa: {  	s25 =	simm.s32 $0x1B8E;
	s24 =	sld [smem:$0x3FFE];
	[sflag:s23] =	ssyncadd.s32 $0xFFFFFFFF  }
0xab: {  	s26 =	simm.s32 $execute0_lowered;
	[smem:$0x3FD2] =	sst s25  }
0xac: {  	s6 =	sshll.u32 s26, $0x1;
	_ =	strace $0x80000046;
	[dreg:$0x1] =	wrdreg $0xFFFFFFFF  }
0xad: {  	s28 =	simm.s32 $_size_execute0_lowered;
	s4 =	sadd.s32 s4, s6;
	[dreg:$0x0] =	wrdreg $0x0  }
0xae: {  	s6 =	sshll.u32 s28, $0x1;
	[dreg:$0x2] =	wrdreg s4  }
0xaf: {  	[dreg:$0x3] =	wrdreg s6  }
0xb0: {  	[dreg:$0x4] =	wrdreg $0xC0  }
0xb1: {  	_ =	task [dreg:s8], $0x5FFFF  }
0xb2: {  	[dreg:$0x1] =	wrdreg $0xFFFFFFFF  }
0xb3: {  	[dreg:$0x0] =	wrdreg $0x60  }
0xb4: {  	[dreg:$0x2] =	wrdreg s16  }
0xb5: {  	[dreg:$0x3] =	wrdreg s17  }
0xb6: {  	[dreg:$0x4] =	wrdreg s24  }
0xb7: {  	[dreg:$0x5] =	wrdreg $0x9  }
0xb8: {  	_ =	task.clear_ibuf [dreg:s8], $0x6FFFF;
	_ =	strace $0x90000046  }
0xb9: {  	s29 =	simm.s32 $0x9;
	_ =	strace $0x80000048  }
0xba: {  	_ =	swait.ge [sflag:s29], $0x1  }
0xbb: {  	[sflag:s29] =	ssyncadd.s32 $0xFFFFFFFF  }
0xbc: {  	_ =	strace $0x90000048  }
0xbd: {  	_ =	sfence  }
0xbe: {  	s30 =	sld [smem:$0x0];
	_ =	sdelay $0x2  }
0xbf: {  	s31 =	sshll.u32 s1, $0xD;
	s1 =	sshrl.u32 s1, $0x2  }
0xc0: {  	s3 =	sand.u32 $0x4000, s31;
	s1 =	sadd.s32 s1, s30  }
0xc1: {  	s0 =	sor.u32 s3, s0;
	s1 =	sshll.u32 s1, $0x11  }
0xc2: {  	s0 =	sor.u32 s1, s0  }
0xc3: {  	s0 =	sadd.s32 $0x8F2B, s0  }
0xc4: {  	[sflag:s0] =	ssyncadd.remote.s32 $0x1  }
0xc5: {  	_ =	sfence.sel $0xFFFF  }
0xc6: {  	[dreg:$0x0] =	wrdreg $0xFFFFFFFF;
	(pc) =	sbr.abs _section_cstart, $3  }
0xc7: {  	[dreg:$0x1] =	wrdreg $0xFFFFFFFF  }
0xc8: {  	_ =	task.clear_ibuf [dreg:s8], $0x2FFFF;
	_ =	strace $0x9FFFFFFF  }
0xc9: {  	(tm) =	ssettm $0x7FFFFFFF  }
tec
execute0_lowered:
.L_overlay_start_1:
0x0: {  	(tag) =	ssettag $0x1  }
0x1: {  	s4 =	rddreg [dreg:$0x0]  }
0x2: {  	s3 =	rddreg [dreg:$0x1]  }
0x3: {  	s2 =	rddreg [dreg:$0x2]  }
0x4: {  	s5 =	srdreg.scid;
	s0 =	rddreg [dreg:$0x3];
	s1 =	simm.s32 $0x0  }
0x5: {  	s10 =	simm.s32 $0x0;
	s5 =	sand.u32 $0x1, s5;
	[smem:$0x7FF] =	sst s1  }
0x6: {  	s6 =	ssub.s32 $0x2, s5;
	_ =	strace $0x80000047;
	s7 =	sshll.u32 s5, $0xD  }
0x7: {  	s5 =	sshll.u32 s5, $0xA;
	s8 =	sshrl.u32 s6, $0x1;
	s7 =	sadd.s32 s7, s2  }
0x8: {  	s2 =	stileid.u32;
	s4 =	sadd.s32 s4, s5;
	s6 =	ssub.s32 s6, s8  }
0x9: {  	s30 =	sshll.u32 s2, $0x9;
	s9 =	sshll.u32 s2, $0xE;
	s8 =	simm.s32 $0x1000  }
0xa: {  	s3 =	sadd.s32 s3, s30;
	s31 =	sadd.s32 s9, s7;
	s6 =	smax.u32 s6, $0x1  }
0xb: {  	s7 =	simm.s32 $0x1;
	s9 =	simm.s32 $0x3000;
	s5 =	sadd.s32 $0x400, s31  }
.LBB2_1:
0xc: {  	[tilespmem:s1], [sflag:$0x1] =	stream.linear.gather [hbm4b:s3+s1], $0x1000, $0x38;
	[tilespmem:$0x13000] =	vst v63  }
0xd: {  	_ =	swait.ge [sflag:s7], $0x1000  }
0xe: {  	[sflag:s7] =	ssyncset.done $0x0  }
0xf: {  	[sflag:s7] =	ssyncadd.s32 $0xFFFFF000  }
0x10: {  	[tilespmem:s8], [sflag:$0x1] =	stream.linear.gather [hbm4b:s4+s1], $0x2000, $0x38;
	[tilespmem:$0x13000] =	vst v63  }
0x11: {  	_ =	swait.ge [sflag:s7], $0x2000  }
0x12: {  	s11 =	simm.s32 $0xFFFFFFFE;
	[sflag:s7] =	ssyncset.done $0x0  }
0x13: {  	s12 =	simm.s32 $0x0;
	s13 =	simm.s32 $0x0;
	[sflag:s7] =	ssyncadd.s32 $0xFFFFE000  }
.LBB2_2:
0x14: {  	s14 =	sshra.s32 s13, $0x2  }
0x15: {  	v0 =	vld [tilespmem:s14+$0x0];
	_ =	sdelay $0x4  }
0x16: {  	v1 =	vadd.s32 $0x200, v0  }
0x17: {  	v2 =	vadd.s32 $0x400, v0  }
0x18: {  	v3 =	vadd.s32 $0x600, v0  }
0x19: {  	v4 =	vadd.s32 $0x800, v0  }
0x1a: {  	v6 =	vadd.s32 $0xA00, v0;
	v5 =	vld.idx.msk [tilespmem:v0+s8+$0x0], $0xffff  }
0x1b: {  	v7 =	vadd.s32 $0xC00, v0;
	v1 =	vld.idx.msk [tilespmem:v1+s8+$0x0], $0xffff  }
0x1c: {  	v8 =	vadd.s32 $0xE00, v0;
	v2 =	vld.idx.msk [tilespmem:v2+s8+$0x0], $0xffff  }
0x1d: {  	v9 =	vadd.s32 $0x1000, v0;
	v3 =	vld.idx.msk [tilespmem:v3+s8+$0x0], $0xffff  }
0x1e: {  	v10 =	vadd.s32 $0x1200, v0;
	v4 =	vld.idx.msk [tilespmem:v4+s8+$0x0], $0xffff  }
0x1f: {  	v11 =	vadd.s32 $0x1400, v0;
	v6 =	vld.idx.msk [tilespmem:v6+s8+$0x0], $0xffff  }
0x20: {  	v12 =	vadd.s32 $0x1600, v0;
	v7 =	vld.idx.msk [tilespmem:v7+s8+$0x0], $0xffff  }
0x21: {  	v13 =	vadd.s32 $0x1800, v0;
	v8 =	vld.idx.msk [tilespmem:v8+s8+$0x0], $0xffff  }
0x22: {  	v14 =	vadd.s32 $0x1A00, v0;
	v9 =	vld.idx.msk [tilespmem:v9+s8+$0x0], $0xffff  }
0x23: {  	v15 =	vadd.s32 $0x1C00, v0;
	v10 =	vld.idx.msk [tilespmem:v10+s8+$0x0], $0xffff  }
0x24: {  	v0 =	vadd.s32 $0x1E00, v0;
	v11 =	vld.idx.msk [tilespmem:v11+s8+$0x0], $0xffff  }
0x25: {  	v12 =	vld.idx.msk [tilespmem:v12+s8+$0x0], $0xffff  }
0x26: {  	v13 =	vld.idx.msk [tilespmem:v13+s8+$0x0], $0xffff  }
0x27: {  	v14 =	vld.idx.msk [tilespmem:v14+s8+$0x0], $0xffff  }
0x28: {  	v15 =	vld.idx.msk [tilespmem:v15+s8+$0x0], $0xffff  }
0x29: {  	s15 =	sand.u32 $0xFE0, s12;
	v0 =	vld.idx.msk [tilespmem:v0+s8+$0x0], $0xffff;
	[tilespmem:s14+$0x3000] =	vst v5  }
0x2a: {  	[tilespmem:s15+$0x4000] =	vst v1  }
0x2b: {  	[tilespmem:s15+$0x5000] =	vst v2  }
0x2c: {  	[tilespmem:s15+$0x6000] =	vst v3  }
0x2d: {  	[tilespmem:s15+$0x7000] =	vst v4  }
0x2e: {  	[tilespmem:s15+$0x8000] =	vst v6  }
0x2f: {  	[tilespmem:s15+$0x9000] =	vst v7  }
0x30: {  	[tilespmem:s15+$0xA000] =	vst v8  }
0x31: {  	[tilespmem:s15+$0xB000] =	vst v9  }
0x32: {  	[tilespmem:s15+$0xC000] =	vst v10  }
0x33: {  	[tilespmem:s15+$0xD000] =	vst v11  }
0x34: {  	[tilespmem:s15+$0xE000] =	vst v12  }
0x35: {  	[tilespmem:s15+$0xF000] =	vst v13  }
0x36: {  	[tilespmem:s15+$0x10000] =	vst v14  }
0x37: {  	[tilespmem:s15+$0x11000] =	vst v15  }
0x38: {  	[tilespmem:s15+$0x12000] =	vst v0  }
0x39: {  	v0 =	vld [tilespmem:s14+$0x10];
	_ =	sdelay $0x4  }
0x3a: {  	v50 =	vadd.s32 $0x200, v0  }
0x3b: {  	v51 =	vadd.s32 $0x400, v0  }
0x3c: {  	v52 =	vadd.s32 $0x600, v0  }
0x3d: {  	v53 =	vadd.s32 $0x800, v0  }
0x3e: {  	v54 =	vadd.s32 $0xA00, v0;
	v5 =	vld.idx.msk [tilespmem:v0+s8+$0x0], $0xffff  }
0x3f: {  	v55 =	vadd.s32 $0xC00, v0;
	v1 =	vld.idx.msk [tilespmem:v50+s8+$0x0], $0xffff  }
0x40: {  	v56 =	vadd.s32 $0xE00, v0;
	v2 =	vld.idx.msk [tilespmem:v51+s8+$0x0], $0xffff  }
0x41: {  	v57 =	vadd.s32 $0x1000, v0;
	v3 =	vld.idx.msk [tilespmem:v52+s8+$0x0], $0xffff  }
0x42: {  	v58 =	vadd.s32 $0x1200, v0;
	v4 =	vld.idx.msk [tilespmem:v53+s8+$0x0], $0xffff  }
0x43: {  	v59 =	vadd.s32 $0x1400, v0;
	v6 =	vld.idx.msk [tilespmem:v54+s8+$0x0], $0xffff  }
0x44: {  	v60 =	vadd.s32 $0x1600, v0;
	v7 =	vld.idx.msk [tilespmem:v55+s8+$0x0], $0xffff  }
0x45: {  	v61 =	vadd.s32 $0x1800, v0;
	v8 =	vld.idx.msk [tilespmem:v56+s8+$0x0], $0xffff  }
0x46: {  	v62 =	vadd.s32 $0x1A00, v0;
	v9 =	vld.idx.msk [tilespmem:v57+s8+$0x0], $0xffff  }
0x47: {  	v63 =	vadd.s32 $0x1C00, v0;
	v10 =	vld.idx.msk [tilespmem:v58+s8+$0x0], $0xffff  }
0x48: {  	v0 =	vadd.s32 $0x1E00, v0;
	v11 =	vld.idx.msk [tilespmem:v59+s8+$0x0], $0xffff  }
0x49: {  	v12 =	vld.idx.msk [tilespmem:v60+s8+$0x0], $0xffff  }
0x4a: {  	v13 =	vld.idx.msk [tilespmem:v61+s8+$0x0], $0xffff  }
0x4b: {  	v14 =	vld.idx.msk [tilespmem:v62+s8+$0x0], $0xffff  }
0x4c: {  	v15 =	vld.idx.msk [tilespmem:v63+s8+$0x0], $0xffff  }
0x4d: {  	v0 =	vld.idx.msk [tilespmem:v0+s8+$0x0], $0xffff;
	[tilespmem:s14+$0x3010] =	vst v5  }
0x4e: {  	[tilespmem:s14+$0x4010] =	vst v1  }
0x4f: {  	[tilespmem:s14+$0x5010] =	vst v2  }
0x50: {  	[tilespmem:s14+$0x6010] =	vst v3  }
0x51: {  	[tilespmem:s14+$0x7010] =	vst v4  }
0x52: {  	[tilespmem:s14+$0x8010] =	vst v6  }
0x53: {  	[tilespmem:s14+$0x9010] =	vst v7  }
0x54: {  	[tilespmem:s14+$0xA010] =	vst v8  }
0x55: {  	[tilespmem:s14+$0xB010] =	vst v9  }
0x56: {  	s11 =	sadd.s32 $0x2, s11;
	[tilespmem:s14+$0xC010] =	vst v10  }
0x57: {  	p0 =	slt.u32 s11, $0xFE;
	[tilespmem:s14+$0xD010] =	vst v11  }
.Ltmp0:
0x58: {  	[tilespmem:s14+$0xE010] =	vst v12;
	(pc) =	sbr.rel @p0 .LBB2_2-.Ltmp0, $4  }
0x59: {  	[tilespmem:s14+$0xF010] =	vst v13  }
0x5a: {  	[tilespmem:s14+$0x10010] =	vst v14  }
0x5b: {  	[tilespmem:s14+$0x11010] =	vst v15  }
0x5c: {  	s13 =	sadd.s32 $0x80, s13;
	s12 =	sadd.s32 $0x20, s12;
	[tilespmem:s14+$0x12010] =	vst v0  }
0x5d: {  	s10 =	sadd.s32 $0x1, s10  }
0x5e: {  	p0 =	sne.s32 s10, s6  }
.Ltmp1:
0x5f: {  	_ = 	snop;
	(pc) =	sbr.rel @p0 .LBB2_1-.Ltmp1, $4  }
0x60: {  	[hbm4b:s5+s1] =	stream.linear.scatter [tilespmem:s9], [sflag:$0x1], $0x10000, $0x38;
	[tilespmem:$0x13000] =	vst v63  }
0x61: {  	_ =	swait.ge [sflag:s7], $0x10000  }
0x62: {  	[sflag:s7] =	ssyncset.done $0x0  }
0x63: {  	[sflag:s7] =	ssyncadd.s32 $0xFFFF0000  }
0x64: {  	_ =	sfence.sel $0x180000  }
0x65: {  	[bflag:$0x0] =	sbarrier.arrive $0xFFFF  }
0x66: {  	p0 =	sne.s32 s2, $0x0;
	_ =	strace $0x90000047  }
0x67: {  	s0 =	sadd.s32 @!p0 $0x100000, s0;
	[bflag:$0x2] =	sbarrier.arrive $0xFFFF  }
0x68: {  	[sflag:s0] =	ssyncadd.tile.s32 @!p0 $0x1;
	_ =	shalt  }
.Lfunc_end2:
_tile_overlayer_lowered:
.L_overlay_start_2:
0x69: {  	(tag) =	ssettag $0x2  }
0x6a: {  	s0 =	rddreg [dreg:$0x0];
	s2 =	stileid.u32  }
0x6b: {  	s1 =	rddreg [dreg:$0x1];
	p0 =	sne.s32 s2, $0x0  }
0x6c: {  	s3 =	rddreg [dreg:$0x2];
	[bflag:$0x3] =	sbarrier.arrive $0xFFFF;
	s2 =	simm.s32 @!p0 $0x1C01  }
0x6d: {  	[timem:s3], [sflag:s2] =	dma.local @!p0 [hbm:s0], s1  }
0x6e: {  	s0 =	simm.s32 @!p0 $0x1  }
0x6f: {  	_ =	swait.ge @!p0 [sflag:s0], s1  }
0x70: {  	s1 =	ssub.s32 @!p0 $0x0, s1;
	[sflag:s0] =	ssyncset.done @!p0 $0x0  }
0x71: {  	[sflag:s0] =	ssyncadd.s32 @!p0 s1  }
0x72: {  	[bflag:$0x3] =	sbarrier.arrive $0xFFFF  }
0x73: {  	_ =	shalt  }

</sc_bundles>
